<compile_context>
chip_gen: v7x
topology: tpu7x:2x2x1
jax: 0.10.2.dev20260603
libtpu: 0.0.44.dev20260713+nightly
codegen_flags: <defaults>
</compile_context>

<pallas_src>
import functools
import numpy as np
import jax
import jax.numpy as jnp
from jax import lax
from jax.experimental import pallas as pl
from jax.experimental.pallas import tpu as pltpu
from jax.experimental.pallas import tpu_sc as plsc

_K = 64
_B = 4
_S = 4096
_CHUNK = _S // 8
_NV = _CHUNK // 16
_I32MIN = np.int32(-2**31)

_BASE = np.zeros(64, np.float32)
_BASE[0:17] = np.arange(17, dtype=np.float32) / np.float32(17.0)
_BASE[17:48] = np.arange(31, dtype=np.float32) / np.float32(31.0)
_BASE[48] = 1.0
_BASE[49] = 0.0


def _splat(x, dtype=None):
    x = jnp.asarray(x) if dtype is None else jnp.asarray(x, dtype)
    return jnp.broadcast_to(x, (16,))


def _modf(x, f, m):
    c = np.float32(1.0 / m)
    q = (f * c).astype(jnp.int32)
    r = x - q * np.int32(m)
    r = r - jnp.where(r >= m, np.int32(m), np.int32(0))
    return r


def _scan272(hrd, kk, kkv, iota):
    ct = hrd[pl.ds(256, 16)]
    for sh in range(1, 8):
        ct = ct + hrd[pl.ds(sh * 272 + 256, 16)]
    rsuf = lax.rev(plsc.cumsum(lax.rev(ct, (0,))), (0,))
    sgt = rsuf - ct
    hit = (sgt < kkv) & (rsuf >= kkv)
    tstar = jnp.max(jnp.where(hit, iota, np.int32(-1)))
    rbefore = jnp.max(jnp.where(hit, sgt, np.int32(-1)))
    t16s = tstar * 16
    cnt = hrd[pl.ds(t16s, 16)]
    for sh in range(1, 8):
        cnt = cnt + hrd[pl.ds(sh * 272 + t16s, 16)]
    suf = lax.rev(plsc.cumsum(lax.rev(cnt, (0,))), (0,))
    sg = (suf - cnt) + _splat(rbefore)
    found = (sg < kkv) & (sg + cnt >= kkv)
    dstar = jnp.max(jnp.where(found, iota + _splat(t16s), np.int32(-1)))
    sstar = jnp.max(jnp.where(found, sg, np.int32(-1)))
    return dstar, sstar


def _body(ids_hbm, chw_hbm, base_hbm, gain_hbm, mu_hbm, sal_hbm,
          ids_v, chw_v, base_v, tab_v, comb_v, uk_v, hist2_v, hrd_v, sv_v,
          srd_v, sal_v, gain_v, mu16_v, hist_sh, stats_sh):
    c = lax.axis_index("c")
    s = lax.axis_index("s")
    lr = s // 8
    j = s % 8
    r = c * 2 + lr
    col = j * _CHUNK
    iota = lax.iota(jnp.int32, 16)
    zeros16 = jnp.zeros((16,), jnp.int32)
    ones16 = jnp.ones((16,), jnp.int32)

    pltpu.sync_copy(chw_hbm, chw_v.at[pl.ds(0, 3)])
    pltpu.sync_copy(base_hbm, base_v)
    pltpu.sync_copy(ids_hbm.at[r, pl.ds(col, _CHUNK)], ids_v)

    chwvec = chw_v[pl.ds(0, 16)]
    w0 = _splat(chwvec[0])
    w1 = _splat(chwvec[1])
    w2 = _splat(chwvec[2])
    for q in range(4):
        g = iota + np.int32(q * 16)
        w = jnp.where(g < 17, w0, jnp.where(g < 48, w1, w2))
        tab_v[pl.ds(q * 16, 16)] = w * base_v[pl.ds(q * 16, 16)]
    tail = tab_v[pl.ds(48, 16)]
    one_v = _splat(tail[0])
    zero_v = _splat(tail[1])

    def p1(k, carry):
        for u in range(4):
            off = k * 64 + u * 16
            ids = ids_v[pl.ds(off, 16)]
            fids = ids.astype(jnp.float32)
            amp = plsc.load_gather(tab_v, [_modf(ids, fids, 17)])
            pit = plsc.load_gather(tab_v, [_modf(ids, fids, 31) + 17])
            bnd = jnp.where(_modf(ids, fids, 7) == 0, one_v, zero_v)
            comb = (amp + pit) + bnd
            comb_v[pl.ds(off, 16)] = comb
            u32 = plsc.bitcast(comb, jnp.int32)
            uk = jnp.where(u32 < 0, jnp.bitwise_xor(u32, np.int32(-1)),
                           jnp.bitwise_xor(u32, _I32MIN))
            uk_v[pl.ds(off, 16)] = uk
        return carry
    lax.fori_loop(0, _NV // 4, p1, jnp.int32(0))

    def pround(i, carry):
        prefix, kk = carry
        m = 3 - i
        sh8 = m * 8
        hm = _splat(lax.shift_left(
            lax.shift_left(np.int32(-1), sh8), np.int32(8)))
        pf = _splat(prefix)

        def zh(t, cc):
            hist2_v[pl.ds(t * 16, 16)] = zeros16
            return cc
        lax.fori_loop(0, 17, zh, jnp.int32(0))

        def p2(k, cc):
            for u in range(4):
                off = k * 64 + u * 16
                uk = uk_v[pl.ds(off, 16)]
                surv = (uk & hm) == pf
                d = lax.shift_right_logical(uk, sh8) & np.int32(255)
                plsc.addupdate_scatter(hist2_v, [d], ones16, mask=surv)
                dc = lax.shift_right_logical(d, np.int32(4)) + np.int32(256)
                plsc.addupdate_scatter(hist2_v, [dc], ones16, mask=surv)
            return cc
        lax.fori_loop(0, _NV // 4, p2, jnp.int32(0))

        off_w = ((m * 2 + lr) * 8 + j) * 272
        pltpu.sync_copy(hist2_v, hist_sh.at[pl.ds(off_w, 272)])
        plsc.subcore_barrier()
        pltpu.sync_copy(hist_sh.at[pl.ds((m * 2 + lr) * 2176, 2176)], hrd_v)
        kkv = _splat(kk)
        dstar, sstar = _scan272(hrd_v, kk, kkv, iota)
        prefix = prefix | lax.shift_left(dstar, sh8)
        kk = kk - sstar
        return prefix, kk
    prefix, kk = lax.fori_loop(0, 4, pround, (jnp.int32(0), jnp.int32(_K)))

    d0 = prefix & np.int32(255)

    t_v = _splat(prefix)
    st_v = t_v ^ _I32MIN

    gidx = jnp.where(iota < 8, iota, np.int32(0)) * 272 + _splat(d0)
    eqv = plsc.load_gather(hrd_v, [gidx], mask=iota < 8)
    jv = _splat(j)
    local_eq = jnp.sum(jnp.where(iota == jv, eqv, np.int32(0)))
    eq_before = jnp.sum(jnp.where((iota < jv) & (iota < 8), eqv, np.int32(0)))
    take = jnp.maximum(jnp.int32(0), jnp.minimum(kk - eq_before, local_eq))

    def p3(k, acc):
        for u in range(4):
            off = k * 64 + u * 16
            uk = uk_v[pl.ds(off, 16)]
            su = uk ^ _I32MIN
            acc = acc + jnp.where(su > st_v, comb_v[pl.ds(off, 16)],
                                  np.float32(0.0))
        return acc
    acc_gt = lax.fori_loop(0, _NV // 4, p3, jnp.zeros((16,), jnp.float32))
    local_gts = jnp.sum(acc_gt)
    sv_v[...] = jnp.where(iota == jv, _splat(local_gts), np.float32(0.0))
    pltpu.sync_copy(sv_v, stats_sh.at[pl.ds((lr * 8 + j) * 16, 16)])
    plsc.subcore_barrier()
    pltpu.sync_copy(stats_sh.at[pl.ds(lr * 128, 128)], srd_v)
    comb8 = srd_v[pl.ds(0, 16)]
    for sh in range(1, 8):
        comb8 = comb8 + srd_v[pl.ds(sh * 16, 16)]
    gts_tot = jnp.sum(jnp.where(iota < 8, comb8, np.float32(0.0)))

    sk = prefix ^ _I32MIN
    ut = jnp.where(sk >= 0, sk, sk ^ np.int32(0x7FFFFFFF))
    vt_v = plsc.bitcast(_splat(ut), jnp.float32)
    mu_v = (_splat(gts_tot) + kk.astype(jnp.float32) * vt_v) \
        * np.float32(1.0 / 64.0)

    take_v = _splat(take)

    def p4(k, run):
        for u in range(4):
            off = k * 64 + u * 16
            uk = uk_v[pl.ds(off, 16)]
            comb = comb_v[pl.ds(off, 16)]
            su = uk ^ _I32MIN
            eq = uk == t_v
            eqi = jnp.where(eq, np.int32(1), np.int32(0))
            inc = plsc.cumsum(eqi)
            excl = (inc - eqi) + _splat(run)
            keep = (su > st_v) | (eq & (excl < take_v))
            sal = jnp.where(keep, comb, np.float32(0.0))
            sal_v[pl.ds(off, 16)] = sal
            gain_v[pl.ds(off, 16)] = mu_v * (np.float32(1.0) + sal)
            run = run + inc[15]
        return run
    lax.fori_loop(0, _NV // 4, p4, jnp.int32(0))

    pltpu.sync_copy(sal_v, sal_hbm.at[r, pl.ds(col, _CHUNK)])
    pltpu.sync_copy(gain_v, gain_hbm.at[r, pl.ds(col, _CHUNK)])

    @pl.when(j == 0)
    def _():
        mu16_v[...] = mu_v
        pltpu.sync_copy(mu16_v, mu_hbm.at[r])


@jax.jit
def _run(input_ids, channel_w, base):
    mesh = plsc.VectorSubcoreMesh(core_axis_name="c", subcore_axis_name="s",
                                  num_cores=2, num_subcores=16)
    f = functools.partial(
        pl.kernel,
        out_type=(
            jax.ShapeDtypeStruct((_B, _S), jnp.float32),
            jax.ShapeDtypeStruct((_B, 16), jnp.float32),
            jax.ShapeDtypeStruct((_B, _S), jnp.float32),
        ),
        mesh=mesh,
        compiler_params=pltpu.CompilerParams(needs_layout_passes=False),
        scratch_types=[
            pltpu.VMEM((_CHUNK,), jnp.int32),
            pltpu.VMEM((16,), jnp.float32),
            pltpu.VMEM((64,), jnp.float32),
            pltpu.VMEM((64,), jnp.float32),
            pltpu.VMEM((_CHUNK,), jnp.float32),
            pltpu.VMEM((_CHUNK,), jnp.int32),
            pltpu.VMEM((272,), jnp.int32),
            pltpu.VMEM((2176,), jnp.int32),
            pltpu.VMEM((16,), jnp.float32),
            pltpu.VMEM((128,), jnp.float32),
            pltpu.VMEM((_CHUNK,), jnp.float32),
            pltpu.VMEM((_CHUNK,), jnp.float32),
            pltpu.VMEM((16,), jnp.float32),
            pltpu.VMEM_SHARED((4 * 2 * 8 * 272,), jnp.int32),
            pltpu.VMEM_SHARED((256,), jnp.float32),
        ],
    )(_body)
    return f(input_ids, channel_w, base)


_BASE_DEV = None


def kernel(input_ids, channel_w):
    global _BASE_DEV
    if _BASE_DEV is None:
        _BASE_DEV = jnp.asarray(_BASE)
    gains, mu_pad, salience = _run(input_ids, channel_w, _BASE_DEV)
    return (gains, mu_pad[:, 0], salience)

# --- scband reference (transcript-rebuilt; emitter-appended) ---
"""Pipeline reference for scband-prosody-attention-bridge-90314572300852 (READ-ONLY COPY).

The authoritative reference and input builder live on the scoring server;
editing this copy changes nothing except your own understanding.
"""

import jax, jax.numpy as jnp
import numpy as np

K_WINNERS = 64


def prosody_channels_from_text(input_ids):
    # Deterministic prosody channels inferred from token ids (GPU-mode path)
    amp = (input_ids % 17).astype(jnp.float32) / 17.0
    pitch = (input_ids % 31).astype(jnp.float32) / 31.0
    boundary = (input_ids % 7 == 0).astype(jnp.float32)
    return amp, pitch, boundary


def setup_inputs(seed: int = 0) -> dict:
    key = jax.random.key(seed)
    k1, k2 = jax.random.split(key)
    input_ids = jax.random.randint(k1, (4, 4096), 0, 32000, dtype=jnp.int32)
    # learned channel-mixing weights of MultiChannelSpikingAttention
    channel_w = jnp.array([0.5, 0.3, 0.2], dtype=jnp.float32) + 0.05 * jax.random.normal(k2, (3,), dtype=jnp.float32)
    return {"input_ids": input_ids, "channel_w": channel_w}


def reference(input_ids, channel_w):
    amp, pitch, boundary = prosody_channels_from_text(input_ids)
    # multi-channel salience
    combined = channel_w[0] * amp + channel_w[1] * pitch + channel_w[2] * boundary
    B, S = combined.shape
    # k-winners-take-all spiking attention: keep top-k salience per row, zero elsewhere
    vals, idx = jax.lax.top_k(combined, K_WINNERS)
    salience = jnp.zeros((B, S), dtype=combined.dtype).at[jnp.arange(B)[:, None], idx].set(vals)
    # global modulation scalar mu per batch element
    mu_scalar = jnp.mean(vals, axis=1)  # [B]
    mu = mu_scalar[:, None]             # [B, 1]
    attention_gains = mu * (1.0 + salience)  # [B, S]
    return (attention_gains, mu_scalar, salience)

if __name__ == "__main__":
    import jax
    _d = setup_inputs()
    print(jax.jit(kernel)(*tuple(_d.values())))

</pallas_src>

<mosaic_0001>
#map = affine_map<(d0, d1) -> (0, 0)>
#map1 = affine_map<(d0, d1) -> (0)>
module attributes {stable_mosaic.version = 14 : i64} {
  func.func @_body(%arg0: i32, %arg1: i32, %arg2: memref<4x4096xi32, #tpu.memory_space<hbm>>, %arg3: memref<3xf32, #tpu.memory_space<hbm>>, %arg4: memref<64xf32, #tpu.memory_space<hbm>>, %arg5: memref<4x4096xf32, #tpu.memory_space<hbm>>, %arg6: memref<4x16xf32, #tpu.memory_space<hbm>>, %arg7: memref<4x4096xf32, #tpu.memory_space<hbm>>, %arg8: memref<512xi32, #tpu.memory_space<vmem>>, %arg9: memref<16xf32, #tpu.memory_space<vmem>>, %arg10: memref<64xf32, #tpu.memory_space<vmem>>, %arg11: memref<64xf32, #tpu.memory_space<vmem>>, %arg12: memref<512xf32, #tpu.memory_space<vmem>>, %arg13: memref<512xi32, #tpu.memory_space<vmem>>, %arg14: memref<272xi32, #tpu.memory_space<vmem>>, %arg15: memref<2176xi32, #tpu.memory_space<vmem>>, %arg16: memref<16xf32, #tpu.memory_space<vmem>>, %arg17: memref<128xf32, #tpu.memory_space<vmem>>, %arg18: memref<512xf32, #tpu.memory_space<vmem>>, %arg19: memref<512xf32, #tpu.memory_space<vmem>>, %arg20: memref<16xf32, #tpu.memory_space<vmem>>, %arg21: memref<17408xi32, #tpu.memory_space<vmem_shared>>, %arg22: memref<256xf32, #tpu.memory_space<vmem_shared>>) attributes {dimension_semantics = [#tpu.dimension_semantics<core_parallel>, #tpu.dimension_semantics<subcore_parallel>], iteration_bounds = array<i64: 2, 16>, scalar_prefetch = 0 : i64, scratch_operands = 15 : i64, tpu.core_type = #tpu.core_type<sc_vector_subcore>, window_params = [{transform_indices = #map}, {transform_indices = #map1}, {transform_indices = #map1}, {transform_indices = #map}, {transform_indices = #map}, {transform_indices = #map}]} {
    %jit3A = arith.constant 8 : i32
    %div3A = arith.divsi %arg1, %jit3A : i32
    %sign3A = arith.constant 0 : i32
    %sign3A_0 = arith.cmpi sgt, %arg1, %sign3A : i32
    %sign3A_1 = arith.extui %sign3A_0 : i1 to i32
    %sign3A_2 = arith.constant 0 : i32
    %sign3A_3 = arith.cmpi slt, %arg1, %sign3A_2 : i32
    %sign3A_4 = arith.extui %sign3A_3 : i1 to i32
    %sign3A_5 = arith.subi %sign3A_1, %sign3A_4 : i32
    %sign3A_6 = arith.constant 0 : i32
    %sign3A_7 = arith.cmpi sgt, %jit3A, %sign3A_6 : i32
    %sign3A_8 = arith.extui %sign3A_7 : i1 to i32
    %sign3A_9 = arith.constant 0 : i32
    %sign3A_10 = arith.cmpi slt, %jit3A, %sign3A_9 : i32
    %sign3A_11 = arith.extui %sign3A_10 : i1 to i32
    %sign3A_12 = arith.subi %sign3A_8, %sign3A_11 : i32
    %ne3A = arith.cmpi ne, %sign3A_5, %sign3A_12 : i32
    %rem3A = arith.remsi %arg1, %jit3A : i32
    %ne3A_13 = arith.constant 0 : i32
    %ne3A_14 = arith.cmpi ne, %rem3A, %ne3A_13 : i32
    %and3A = arith.andi %ne3A, %ne3A_14 : i1
    %sub3A = arith.constant 1 : i32
    %sub3A_15 = arith.subi %div3A, %sub3A : i32
    %select_n3A = arith.select %and3A, %sub3A_15, %div3A : i32
    %jit3A_16 = arith.constant 8 : i32
    %eq3A = arith.constant 0 : i32
    %eq3A_17 = arith.cmpi eq, %jit3A_16, %eq3A : i32
    %jit3A_18 = arith.constant 1 : i32
    %select_n3A_19 = arith.select %eq3A_17, %jit3A_18, %jit3A_16 : i32
    %rem3A_20 = arith.remsi %arg1, %select_n3A_19 : i32
    %ne3A_21 = arith.constant 0 : i32
    %ne3A_22 = arith.cmpi ne, %rem3A_20, %ne3A_21 : i32
    %lt3A = arith.constant 0 : i32
    %lt3A_23 = arith.cmpi slt, %rem3A_20, %lt3A : i32
    %lt3A_24 = arith.constant 0 : i32
    %lt3A_25 = arith.cmpi slt, %select_n3A_19, %lt3A_24 : i32
    %ne3A_26 = arith.xori %lt3A_23, %lt3A_25 : i1
    %and3A_27 = arith.andi %ne3A_26, %ne3A_22 : i1
    %add3A = arith.addi %rem3A_20, %select_n3A_19 : i32
    %select_n3A_28 = arith.select %and3A_27, %add3A, %rem3A_20 : i32
    %mul3A = arith.constant 2 : i32
    %mul3A_29 = arith.muli %arg0, %mul3A : i32
    %add3A_30 = arith.addi %mul3A_29, %select_n3A : i32
    %mul3A_31 = arith.constant 512 : i32
    %mul3A_32 = arith.muli %select_n3A_28, %mul3A_31 : i32
    %iota3A = tpu.iota {dimensions = array<i32: 0>} : vector<16xi32>
    %broadcast_in_dim3A = arith.constant 0 : i32
    %broadcast_in_dim3A_33 = vector.broadcast %broadcast_in_dim3A : i32 to vector<16xi32>
    %broadcast_in_dim3A_34 = arith.constant 1 : i32
    %broadcast_in_dim3A_35 = vector.broadcast %broadcast_in_dim3A_34 : i32 to vector<16xi32>
    "tpu.region"() ({
      %run_scoped3A = tpu.sem_alloc : memref<!tpu.dma_semaphore, #tpu.memory_space<semaphore_mem>>
      %dma_start3A = arith.constant 0 : i32
      %dma_start3A_254 = tpu.memref_slice %arg9[%dma_start3A] : memref<16xf32, #tpu.memory_space<vmem>> -> memref<3xf32, #tpu.memory_space<vmem>>
      %dma_start3A_255 = arith.constant 0 : i32
      %dma_start3A_256 = tpu.memref_slice %arg9[%dma_start3A_255] : memref<16xf32, #tpu.memory_space<vmem>> -> memref<3xf32, #tpu.memory_space<vmem>>
      tpu.enqueue_dma source(%arg3 : memref<3xf32, #tpu.memory_space<hbm>>) target(%dma_start3A_256 : memref<3xf32, #tpu.memory_space<vmem>>) target_semaphore(%run_scoped3A : memref<!tpu.dma_semaphore, #tpu.memory_space<semaphore_mem>>)
      %dma_wait3A = arith.constant 0 : i32
      %dma_wait3A_257 = tpu.memref_slice %arg9[%dma_wait3A] : memref<16xf32, #tpu.memory_space<vmem>> -> memref<3xf32, #tpu.memory_space<vmem>>
      %dma_wait3A_258 = arith.constant 0 : i32
      %dma_wait3A_259 = tpu.memref_slice %arg9[%dma_wait3A_258] : memref<16xf32, #tpu.memory_space<vmem>> -> memref<3xf32, #tpu.memory_space<vmem>>
      tpu.wait_dma2 semaphore(%run_scoped3A : memref<!tpu.dma_semaphore, #tpu.memory_space<semaphore_mem>>) src(%arg3 : memref<3xf32, #tpu.memory_space<hbm>>) dst(%dma_wait3A_259 : memref<3xf32, #tpu.memory_space<vmem>>)
      tpu.yield
    }) : () -> ()
    "tpu.region"() ({
      %run_scoped3A = tpu.sem_alloc : memref<!tpu.dma_semaphore, #tpu.memory_space<semaphore_mem>>
      tpu.enqueue_dma source(%arg4 : memref<64xf32, #tpu.memory_space<hbm>>) target(%arg10 : memref<64xf32, #tpu.memory_space<vmem>>) target_semaphore(%run_scoped3A : memref<!tpu.dma_semaphore, #tpu.memory_space<semaphore_mem>>)
      tpu.wait_dma2 semaphore(%run_scoped3A : memref<!tpu.dma_semaphore, #tpu.memory_space<semaphore_mem>>) src(%arg4 : memref<64xf32, #tpu.memory_space<hbm>>) dst(%arg10 : memref<64xf32, #tpu.memory_space<vmem>>)
      tpu.yield
    }) : () -> ()
    "tpu.region"() ({
      %run_scoped3A = tpu.sem_alloc : memref<!tpu.dma_semaphore, #tpu.memory_space<semaphore_mem>>
      %dma_start3A = tpu.memref_slice %arg2[%add3A_30, %mul3A_32] : memref<4x4096xi32, #tpu.memory_space<hbm>> -> memref<1x512xi32, #tpu.memory_space<hbm>>
      %dma_start3A_254 = tpu.memref_squeeze %dma_start3A : memref<1x512xi32, #tpu.memory_space<hbm>> -> memref<512xi32, #tpu.memory_space<hbm>>
      %dma_start3A_255 = tpu.memref_slice %arg2[%add3A_30, %mul3A_32] : memref<4x4096xi32, #tpu.memory_space<hbm>> -> memref<1x512xi32, #tpu.memory_space<hbm>>
      %dma_start3A_256 = tpu.memref_squeeze %dma_start3A_255 : memref<1x512xi32, #tpu.memory_space<hbm>> -> memref<512xi32, #tpu.memory_space<hbm>>
      tpu.enqueue_dma source(%dma_start3A_256 : memref<512xi32, #tpu.memory_space<hbm>>) target(%arg8 : memref<512xi32, #tpu.memory_space<vmem>>) target_semaphore(%run_scoped3A : memref<!tpu.dma_semaphore, #tpu.memory_space<semaphore_mem>>)
      %dma_wait3A = tpu.memref_slice %arg2[%add3A_30, %mul3A_32] : memref<4x4096xi32, #tpu.memory_space<hbm>> -> memref<1x512xi32, #tpu.memory_space<hbm>>
      %dma_wait3A_257 = tpu.memref_squeeze %dma_wait3A : memref<1x512xi32, #tpu.memory_space<hbm>> -> memref<512xi32, #tpu.memory_space<hbm>>
      %dma_wait3A_258 = tpu.memref_slice %arg2[%add3A_30, %mul3A_32] : memref<4x4096xi32, #tpu.memory_space<hbm>> -> memref<1x512xi32, #tpu.memory_space<hbm>>
      %dma_wait3A_259 = tpu.memref_squeeze %dma_wait3A_258 : memref<1x512xi32, #tpu.memory_space<hbm>> -> memref<512xi32, #tpu.memory_space<hbm>>
      tpu.wait_dma2 semaphore(%run_scoped3A : memref<!tpu.dma_semaphore, #tpu.memory_space<semaphore_mem>>) src(%dma_wait3A_259 : memref<512xi32, #tpu.memory_space<hbm>>) dst(%arg8 : memref<512xi32, #tpu.memory_space<vmem>>)
      tpu.yield
    }) : () -> ()
    %get3A = arith.constant 0 : index
    %get3A_36 = tpu.vector_load %arg9[%get3A] {strides = array<i32>} : memref<16xf32, #tpu.memory_space<vmem>>, vector<16xf32>,
    %slice3A = vector.extract_strided_slice %get3A_36 {offsets = [0], sizes = [1], strides = [1]} : vector<16xf32> to vector<1xf32>
    %squeeze3A = vector.extract %slice3A[0] : f32 from vector<1xf32>
    %broadcast_in_dim3A_37 = vector.broadcast %squeeze3A : f32 to vector<16xf32>
    %slice3A_38 = vector.extract_strided_slice %get3A_36 {offsets = [1], sizes = [1], strides = [1]} : vector<16xf32> to vector<1xf32>
    %squeeze3A_39 = vector.extract %slice3A_38[0] : f32 from vector<1xf32>
    %broadcast_in_dim3A_40 = vector.broadcast %squeeze3A_39 : f32 to vector<16xf32>
    %slice3A_41 = vector.extract_strided_slice %get3A_36 {offsets = [2], sizes = [1], strides = [1]} : vector<16xf32> to vector<1xf32>
    %squeeze3A_42 = vector.extract %slice3A_41[0] : f32 from vector<1xf32>
    %broadcast_in_dim3A_43 = vector.broadcast %squeeze3A_42 : f32 to vector<16xf32>
    %add3A_44 = arith.constant 0 : i32
    %add3A_45 = vector.broadcast %add3A_44 : i32 to vector<16xi32>
    %add3A_46 = arith.addi %iota3A, %add3A_45 : vector<16xi32>
    %lt3A_47 = arith.constant 17 : i32
    %lt3A_48 = vector.broadcast %lt3A_47 : i32 to vector<16xi32>
    %lt3A_49 = arith.cmpi slt, %add3A_46, %lt3A_48 : vector<16xi32>
    %lt3A_50 = arith.constant 48 : i32
    %lt3A_51 = vector.broadcast %lt3A_50 : i32 to vector<16xi32>
    %lt3A_52 = arith.cmpi slt, %add3A_46, %lt3A_51 : vector<16xi32>
    %select_n3A_53 = arith.select %lt3A_52, %broadcast_in_dim3A_40, %broadcast_in_dim3A_43 : vector<16xi1>, vector<16xf32>
    %select_n3A_54 = arith.select %lt3A_49, %broadcast_in_dim3A_37, %select_n3A_53 : vector<16xi1>, vector<16xf32>
    %get3A_55 = arith.constant 0 : index
    %get3A_56 = tpu.vector_load %arg10[%get3A_55] {strides = array<i32>} : memref<64xf32, #tpu.memory_space<vmem>>, vector<16xf32>,
    %mul3A_57 = arith.mulf %select_n3A_54, %get3A_56 : vector<16xf32>
    %swap3A = arith.constant 0 : index
    %swap3A_58 = tpu.vector_load %arg11[%swap3A] {strides = array<i32>} : memref<64xf32, #tpu.memory_space<vmem>>, vector<16xf32>,
    tpu.vector_store %arg11[%swap3A], %mul3A_57 {strides = array<i32>} : memref<64xf32, #tpu.memory_space<vmem>>, vector<16xf32>,
    %add3A_59 = arith.constant 16 : i32
    %add3A_60 = vector.broadcast %add3A_59 : i32 to vector<16xi32>
    %add3A_61 = arith.addi %iota3A, %add3A_60 : vector<16xi32>
    %lt3A_62 = arith.constant 17 : i32
    %lt3A_63 = vector.broadcast %lt3A_62 : i32 to vector<16xi32>
    %lt3A_64 = arith.cmpi slt, %add3A_61, %lt3A_63 : vector<16xi32>
    %lt3A_65 = arith.constant 48 : i32
    %lt3A_66 = vector.broadcast %lt3A_65 : i32 to vector<16xi32>
    %lt3A_67 = arith.cmpi slt, %add3A_61, %lt3A_66 : vector<16xi32>
    %select_n3A_68 = arith.select %lt3A_67, %broadcast_in_dim3A_40, %broadcast_in_dim3A_43 : vector<16xi1>, vector<16xf32>
    %select_n3A_69 = arith.select %lt3A_64, %broadcast_in_dim3A_37, %select_n3A_68 : vector<16xi1>, vector<16xf32>
    %get3A_70 = arith.constant 16 : index
    %get3A_71 = tpu.vector_load %arg10[%get3A_70] {strides = array<i32>} : memref<64xf32, #tpu.memory_space<vmem>>, vector<16xf32>,
    %mul3A_72 = arith.mulf %select_n3A_69, %get3A_71 : vector<16xf32>
    %swap3A_73 = arith.constant 16 : index
    %swap3A_74 = tpu.vector_load %arg11[%swap3A_73] {strides = array<i32>} : memref<64xf32, #tpu.memory_space<vmem>>, vector<16xf32>,
    tpu.vector_store %arg11[%swap3A_73], %mul3A_72 {strides = array<i32>} : memref<64xf32, #tpu.memory_space<vmem>>, vector<16xf32>,
    %add3A_75 = arith.constant 32 : i32
    %add3A_76 = vector.broadcast %add3A_75 : i32 to vector<16xi32>
    %add3A_77 = arith.addi %iota3A, %add3A_76 : vector<16xi32>
    %lt3A_78 = arith.constant 17 : i32
    %lt3A_79 = vector.broadcast %lt3A_78 : i32 to vector<16xi32>
    %lt3A_80 = arith.cmpi slt, %add3A_77, %lt3A_79 : vector<16xi32>
    %lt3A_81 = arith.constant 48 : i32
    %lt3A_82 = vector.broadcast %lt3A_81 : i32 to vector<16xi32>
    %lt3A_83 = arith.cmpi slt, %add3A_77, %lt3A_82 : vector<16xi32>
    %select_n3A_84 = arith.select %lt3A_83, %broadcast_in_dim3A_40, %broadcast_in_dim3A_43 : vector<16xi1>, vector<16xf32>
    %select_n3A_85 = arith.select %lt3A_80, %broadcast_in_dim3A_37, %select_n3A_84 : vector<16xi1>, vector<16xf32>
    %get3A_86 = arith.constant 32 : index
    %get3A_87 = tpu.vector_load %arg10[%get3A_86] {strides = array<i32>} : memref<64xf32, #tpu.memory_space<vmem>>, vector<16xf32>,
    %mul3A_88 = arith.mulf %select_n3A_85, %get3A_87 : vector<16xf32>
    %swap3A_89 = arith.constant 32 : index
    %swap3A_90 = tpu.vector_load %arg11[%swap3A_89] {strides = array<i32>} : memref<64xf32, #tpu.memory_space<vmem>>, vector<16xf32>,
    tpu.vector_store %arg11[%swap3A_89], %mul3A_88 {strides = array<i32>} : memref<64xf32, #tpu.memory_space<vmem>>, vector<16xf32>,
    %add3A_91 = arith.constant 48 : i32
    %add3A_92 = vector.broadcast %add3A_91 : i32 to vector<16xi32>
    %add3A_93 = arith.addi %iota3A, %add3A_92 : vector<16xi32>
    %lt3A_94 = arith.constant 17 : i32
    %lt3A_95 = vector.broadcast %lt3A_94 : i32 to vector<16xi32>
    %lt3A_96 = arith.cmpi slt, %add3A_93, %lt3A_95 : vector<16xi32>
    %lt3A_97 = arith.constant 48 : i32
    %lt3A_98 = vector.broadcast %lt3A_97 : i32 to vector<16xi32>
    %lt3A_99 = arith.cmpi slt, %add3A_93, %lt3A_98 : vector<16xi32>
    %select_n3A_100 = arith.select %lt3A_99, %broadcast_in_dim3A_40, %broadcast_in_dim3A_43 : vector<16xi1>, vector<16xf32>
    %select_n3A_101 = arith.select %lt3A_96, %broadcast_in_dim3A_37, %select_n3A_100 : vector<16xi1>, vector<16xf32>
    %get3A_102 = arith.constant 48 : index
    %get3A_103 = tpu.vector_load %arg10[%get3A_102] {strides = array<i32>} : memref<64xf32, #tpu.memory_space<vmem>>, vector<16xf32>,
    %mul3A_104 = arith.mulf %select_n3A_101, %get3A_103 : vector<16xf32>
    %swap3A_105 = arith.constant 48 : index
    %swap3A_106 = tpu.vector_load %arg11[%swap3A_105] {strides = array<i32>} : memref<64xf32, #tpu.memory_space<vmem>>, vector<16xf32>,
    tpu.vector_store %arg11[%swap3A_105], %mul3A_104 {strides = array<i32>} : memref<64xf32, #tpu.memory_space<vmem>>, vector<16xf32>,
    %get3A_107 = arith.constant 48 : index
    %get3A_108 = tpu.vector_load %arg11[%get3A_107] {strides = array<i32>} : memref<64xf32, #tpu.memory_space<vmem>>, vector<16xf32>,
    %slice3A_109 = vector.extract_strided_slice %get3A_108 {offsets = [0], sizes = [1], strides = [1]} : vector<16xf32> to vector<1xf32>
    %squeeze3A_110 = vector.extract %slice3A_109[0] : f32 from vector<1xf32>
    %broadcast_in_dim3A_111 = vector.broadcast %squeeze3A_110 : f32 to vector<16xf32>
    %slice3A_112 = vector.extract_strided_slice %get3A_108 {offsets = [1], sizes = [1], strides = [1]} : vector<16xf32> to vector<1xf32>
    %squeeze3A_113 = vector.extract %slice3A_112[0] : f32 from vector<1xf32>
    %broadcast_in_dim3A_114 = vector.broadcast %squeeze3A_113 : f32 to vector<16xf32>
    %scan3A = arith.constant 0 : i32
    %scan3A_115 = arith.constant 0 : i32
    %scan3A_116 = arith.constant 8 : i32
    %scan3A_117 = arith.addi %scan3A_115, %scan3A_116 : i32
    %scan3A_118 = arith.constant 1 : i32
    scf.for %scan3A_254 = %scan3A_115 to %scan3A_117 step %scan3A_118  : i32 {
      %mul3A_255 = arith.constant 64 : i32
      %mul3A_256 = arith.muli %scan3A_254, %mul3A_255 : i32
      %add3A_257 = arith.constant 0 : i32
      %add3A_258 = arith.addi %mul3A_256, %add3A_257 : i32
      %get3A_259 = arith.index_cast %add3A_258 : i32 to index
      %get3A_260 = tpu.vector_load %arg8[%get3A_259] {strides = array<i32>} : memref<512xi32, #tpu.memory_space<vmem>>, vector<16xi32>,
      %convert_element_type3A_261 = arith.sitofp %get3A_260 : vector<16xi32> to vector<16xf32>
      %mul3A_262 = arith.constant 0.0588235296 : f32
      %mul3A_263 = vector.broadcast %mul3A_262 : f32 to vector<16xf32>
      %mul3A_264 = arith.mulf %convert_element_type3A_261, %mul3A_263 : vector<16xf32>
      %convert_element_type3A_265 = arith.fptosi %mul3A_264 : vector<16xf32> to vector<16xi32>
      %mul3A_266 = arith.constant 17 : i32
      %mul3A_267 = vector.broadcast %mul3A_266 : i32 to vector<16xi32>
      %mul3A_268 = arith.muli %convert_element_type3A_265, %mul3A_267 : vector<16xi32>
      %sub3A_269 = arith.subi %get3A_260, %mul3A_268 : vector<16xi32>
      %ge3A_270 = arith.constant 17 : i32
      %ge3A_271 = vector.broadcast %ge3A_270 : i32 to vector<16xi32>
      %ge3A_272 = arith.cmpi sge, %sub3A_269, %ge3A_271 : vector<16xi32>
      %jit3A_273 = arith.constant 17 : i32
      %jit3A_274 = arith.constant 0 : i32
      %broadcast_in_dim3A_275 = vector.broadcast %jit3A_273 : i32 to vector<16xi32>
      %broadcast_in_dim3A_276 = vector.broadcast %jit3A_274 : i32 to vector<16xi32>
      %select_n3A_277 = arith.select %ge3A_272, %broadcast_in_dim3A_275, %broadcast_in_dim3A_276 : vector<16xi1>, vector<16xi32>
      %sub3A_278 = arith.subi %sub3A_269, %select_n3A_277 : vector<16xi32>
      %gather3A_279 = tpu.vector_load_idx %arg11[%sub3A_278] : memref<64xf32, #tpu.memory_space<vmem>>[vector<16xi32>], vector<16xf32>,
      %mul3A_280 = arith.constant 0.0322580636 : f32
      %mul3A_281 = vector.broadcast %mul3A_280 : f32 to vector<16xf32>
      %mul3A_282 = arith.mulf %convert_element_type3A_261, %mul3A_281 : vector<16xf32>
      %convert_element_type3A_283 = arith.fptosi %mul3A_282 : vector<16xf32> to vector<16xi32>
      %mul3A_284 = arith.constant 31 : i32
      %mul3A_285 = vector.broadcast %mul3A_284 : i32 to vector<16xi32>
      %mul3A_286 = arith.muli %convert_element_type3A_283, %mul3A_285 : vector<16xi32>
      %sub3A_287 = arith.subi %get3A_260, %mul3A_286 : vector<16xi32>
      %ge3A_288 = arith.constant 31 : i32
      %ge3A_289 = vector.broadcast %ge3A_288 : i32 to vector<16xi32>
      %ge3A_290 = arith.cmpi sge, %sub3A_287, %ge3A_289 : vector<16xi32>
      %jit3A_291 = arith.constant 31 : i32
      %jit3A_292 = arith.constant 0 : i32
      %broadcast_in_dim3A_293 = vector.broadcast %jit3A_291 : i32 to vector<16xi32>
      %broadcast_in_dim3A_294 = vector.broadcast %jit3A_292 : i32 to vector<16xi32>
      %select_n3A_295 = arith.select %ge3A_290, %broadcast_in_dim3A_293, %broadcast_in_dim3A_294 : vector<16xi1>, vector<16xi32>
      %sub3A_296 = arith.subi %sub3A_287, %select_n3A_295 : vector<16xi32>
      %add3A_297 = arith.constant 17 : i32
      %add3A_298 = vector.broadcast %add3A_297 : i32 to vector<16xi32>
      %add3A_299 = arith.addi %sub3A_296, %add3A_298 : vector<16xi32>
      %gather3A_300 = tpu.vector_load_idx %arg11[%add3A_299] : memref<64xf32, #tpu.memory_space<vmem>>[vector<16xi32>], vector<16xf32>,
      %mul3A_301 = arith.constant 0.142857149 : f32
      %mul3A_302 = vector.broadcast %mul3A_301 : f32 to vector<16xf32>
      %mul3A_303 = arith.mulf %convert_element_type3A_261, %mul3A_302 : vector<16xf32>
      %convert_element_type3A_304 = arith.fptosi %mul3A_303 : vector<16xf32> to vector<16xi32>
      %mul3A_305 = arith.constant 7 : i32
      %mul3A_306 = vector.broadcast %mul3A_305 : i32 to vector<16xi32>
      %mul3A_307 = arith.muli %convert_element_type3A_304, %mul3A_306 : vector<16xi32>
      %sub3A_308 = arith.subi %get3A_260, %mul3A_307 : vector<16xi32>
      %ge3A_309 = arith.constant 7 : i32
      %ge3A_310 = vector.broadcast %ge3A_309 : i32 to vector<16xi32>
      %ge3A_311 = arith.cmpi sge, %sub3A_308, %ge3A_310 : vector<16xi32>
      %jit3A_312 = arith.constant 7 : i32
      %jit3A_313 = arith.constant 0 : i32
      %broadcast_in_dim3A_314 = vector.broadcast %jit3A_312 : i32 to vector<16xi32>
      %broadcast_in_dim3A_315 = vector.broadcast %jit3A_313 : i32 to vector<16xi32>
      %select_n3A_316 = arith.select %ge3A_311, %broadcast_in_dim3A_314, %broadcast_in_dim3A_315 : vector<16xi1>, vector<16xi32>
      %sub3A_317 = arith.subi %sub3A_308, %select_n3A_316 : vector<16xi32>
      %eq3A_318 = arith.constant 0 : i32
      %eq3A_319 = vector.broadcast %eq3A_318 : i32 to vector<16xi32>
      %eq3A_320 = arith.cmpi eq, %sub3A_317, %eq3A_319 : vector<16xi32>
      %select_n3A_321 = arith.select %eq3A_320, %broadcast_in_dim3A_111, %broadcast_in_dim3A_114 : vector<16xi1>, vector<16xf32>
      %add3A_322 = arith.addf %gather3A_279, %gather3A_300 : vector<16xf32>
      %add3A_323 = arith.addf %add3A_322, %select_n3A_321 : vector<16xf32>
      %swap3A_324 = arith.index_cast %add3A_258 : i32 to index
      %swap3A_325 = tpu.vector_load %arg12[%swap3A_324] {strides = array<i32>} : memref<512xf32, #tpu.memory_space<vmem>>, vector<16xf32>,
      tpu.vector_store %arg12[%swap3A_324], %add3A_323 {strides = array<i32>} : memref<512xf32, #tpu.memory_space<vmem>>, vector<16xf32>,
      %bitcast3A_326 = vector.bitcast %add3A_323 : vector<16xf32> to vector<16xi32>
      %lt3A_327 = arith.constant 0 : i32
      %lt3A_328 = vector.broadcast %lt3A_327 : i32 to vector<16xi32>
      %lt3A_329 = arith.cmpi slt, %bitcast3A_326, %lt3A_328 : vector<16xi32>
      %xor3A_330 = arith.constant -1 : i32
      %xor3A_331 = vector.broadcast %xor3A_330 : i32 to vector<16xi32>
      %xor3A_332 = arith.xori %bitcast3A_326, %xor3A_331 : vector<16xi32>
      %xor3A_333 = arith.constant -2147483648 : i32
      %xor3A_334 = vector.broadcast %xor3A_333 : i32 to vector<16xi32>
      %xor3A_335 = arith.xori %bitcast3A_326, %xor3A_334 : vector<16xi32>
      %select_n3A_336 = arith.select %lt3A_329, %xor3A_332, %xor3A_335 : vector<16xi1>, vector<16xi32>
      %swap3A_337 = arith.index_cast %add3A_258 : i32 to index
      %swap3A_338 = tpu.vector_load %arg13[%swap3A_337] {strides = array<i32>} : memref<512xi32, #tpu.memory_space<vmem>>, vector<16xi32>,
      tpu.vector_store %arg13[%swap3A_337], %select_n3A_336 {strides = array<i32>} : memref<512xi32, #tpu.memory_space<vmem>>, vector<16xi32>,
      %mul3A_339 = arith.constant 64 : i32
      %mul3A_340 = arith.muli %scan3A_254, %mul3A_339 : i32
      %add3A_341 = arith.constant 16 : i32
      %add3A_342 = arith.addi %mul3A_340, %add3A_341 : i32
      %get3A_343 = arith.index_cast %add3A_342 : i32 to index
      %get3A_344 = tpu.vector_load %arg8[%get3A_343] {strides = array<i32>} : memref<512xi32, #tpu.memory_space<vmem>>, vector<16xi32>,
      %convert_element_type3A_345 = arith.sitofp %get3A_344 : vector<16xi32> to vector<16xf32>
      %mul3A_346 = arith.constant 0.0588235296 : f32
      %mul3A_347 = vector.broadcast %mul3A_346 : f32 to vector<16xf32>
      %mul3A_348 = arith.mulf %convert_element_type3A_345, %mul3A_347 : vector<16xf32>
      %convert_element_type3A_349 = arith.fptosi %mul3A_348 : vector<16xf32> to vector<16xi32>
      %mul3A_350 = arith.constant 17 : i32
      %mul3A_351 = vector.broadcast %mul3A_350 : i32 to vector<16xi32>
      %mul3A_352 = arith.muli %convert_element_type3A_349, %mul3A_351 : vector<16xi32>
      %sub3A_353 = arith.subi %get3A_344, %mul3A_352 : vector<16xi32>
      %ge3A_354 = arith.constant 17 : i32
      %ge3A_355 = vector.broadcast %ge3A_354 : i32 to vector<16xi32>
      %ge3A_356 = arith.cmpi sge, %sub3A_353, %ge3A_355 : vector<16xi32>
      %jit3A_357 = arith.constant 17 : i32
      %jit3A_358 = arith.constant 0 : i32
      %broadcast_in_dim3A_359 = vector.broadcast %jit3A_357 : i32 to vector<16xi32>
      %broadcast_in_dim3A_360 = vector.broadcast %jit3A_358 : i32 to vector<16xi32>
      %select_n3A_361 = arith.select %ge3A_356, %broadcast_in_dim3A_359, %broadcast_in_dim3A_360 : vector<16xi1>, vector<16xi32>
      %sub3A_362 = arith.subi %sub3A_353, %select_n3A_361 : vector<16xi32>
      %gather3A_363 = tpu.vector_load_idx %arg11[%sub3A_362] : memref<64xf32, #tpu.memory_space<vmem>>[vector<16xi32>], vector<16xf32>,
      %mul3A_364 = arith.constant 0.0322580636 : f32
      %mul3A_365 = vector.broadcast %mul3A_364 : f32 to vector<16xf32>
      %mul3A_366 = arith.mulf %convert_element_type3A_345, %mul3A_365 : vector<16xf32>
      %convert_element_type3A_367 = arith.fptosi %mul3A_366 : vector<16xf32> to vector<16xi32>
      %mul3A_368 = arith.constant 31 : i32
      %mul3A_369 = vector.broadcast %mul3A_368 : i32 to vector<16xi32>
      %mul3A_370 = arith.muli %convert_element_type3A_367, %mul3A_369 : vector<16xi32>
      %sub3A_371 = arith.subi %get3A_344, %mul3A_370 : vector<16xi32>
      %ge3A_372 = arith.constant 31 : i32
      %ge3A_373 = vector.broadcast %ge3A_372 : i32 to vector<16xi32>
      %ge3A_374 = arith.cmpi sge, %sub3A_371, %ge3A_373 : vector<16xi32>
      %jit3A_375 = arith.constant 31 : i32
      %jit3A_376 = arith.constant 0 : i32
      %broadcast_in_dim3A_377 = vector.broadcast %jit3A_375 : i32 to vector<16xi32>
      %broadcast_in_dim3A_378 = vector.broadcast %jit3A_376 : i32 to vector<16xi32>
      %select_n3A_379 = arith.select %ge3A_374, %broadcast_in_dim3A_377, %broadcast_in_dim3A_378 : vector<16xi1>, vector<16xi32>
      %sub3A_380 = arith.subi %sub3A_371, %select_n3A_379 : vector<16xi32>
      %add3A_381 = arith.constant 17 : i32
      %add3A_382 = vector.broadcast %add3A_381 : i32 to vector<16xi32>
      %add3A_383 = arith.addi %sub3A_380, %add3A_382 : vector<16xi32>
      %gather3A_384 = tpu.vector_load_idx %arg11[%add3A_383] : memref<64xf32, #tpu.memory_space<vmem>>[vector<16xi32>], vector<16xf32>,
      %mul3A_385 = arith.constant 0.142857149 : f32
      %mul3A_386 = vector.broadcast %mul3A_385 : f32 to vector<16xf32>
      %mul3A_387 = arith.mulf %convert_element_type3A_345, %mul3A_386 : vector<16xf32>
      %convert_element_type3A_388 = arith.fptosi %mul3A_387 : vector<16xf32> to vector<16xi32>
      %mul3A_389 = arith.constant 7 : i32
      %mul3A_390 = vector.broadcast %mul3A_389 : i32 to vector<16xi32>
      %mul3A_391 = arith.muli %convert_element_type3A_388, %mul3A_390 : vector<16xi32>
      %sub3A_392 = arith.subi %get3A_344, %mul3A_391 : vector<16xi32>
      %ge3A_393 = arith.constant 7 : i32
      %ge3A_394 = vector.broadcast %ge3A_393 : i32 to vector<16xi32>
      %ge3A_395 = arith.cmpi sge, %sub3A_392, %ge3A_394 : vector<16xi32>
      %jit3A_396 = arith.constant 7 : i32
      %jit3A_397 = arith.constant 0 : i32
      %broadcast_in_dim3A_398 = vector.broadcast %jit3A_396 : i32 to vector<16xi32>
      %broadcast_in_dim3A_399 = vector.broadcast %jit3A_397 : i32 to vector<16xi32>
      %select_n3A_400 = arith.select %ge3A_395, %broadcast_in_dim3A_398, %broadcast_in_dim3A_399 : vector<16xi1>, vector<16xi32>
      %sub3A_401 = arith.subi %sub3A_392, %select_n3A_400 : vector<16xi32>
      %eq3A_402 = arith.constant 0 : i32
      %eq3A_403 = vector.broadcast %eq3A_402 : i32 to vector<16xi32>
      %eq3A_404 = arith.cmpi eq, %sub3A_401, %eq3A_403 : vector<16xi32>
      %select_n3A_405 = arith.select %eq3A_404, %broadcast_in_dim3A_111, %broadcast_in_dim3A_114 : vector<16xi1>, vector<16xf32>
      %add3A_406 = arith.addf %gather3A_363, %gather3A_384 : vector<16xf32>
      %add3A_407 = arith.addf %add3A_406, %select_n3A_405 : vector<16xf32>
      %swap3A_408 = arith.index_cast %add3A_342 : i32 to index
      %swap3A_409 = tpu.vector_load %arg12[%swap3A_408] {strides = array<i32>} : memref<512xf32, #tpu.memory_space<vmem>>, vector<16xf32>,
      tpu.vector_store %arg12[%swap3A_408], %add3A_407 {strides = array<i32>} : memref<512xf32, #tpu.memory_space<vmem>>, vector<16xf32>,
      %bitcast3A_410 = vector.bitcast %add3A_407 : vector<16xf32> to vector<16xi32>
      %lt3A_411 = arith.constant 0 : i32
      %lt3A_412 = vector.broadcast %lt3A_411 : i32 to vector<16xi32>
      %lt3A_413 = arith.cmpi slt, %bitcast3A_410, %lt3A_412 : vector<16xi32>
      %xor3A_414 = arith.constant -1 : i32
      %xor3A_415 = vector.broadcast %xor3A_414 : i32 to vector<16xi32>
      %xor3A_416 = arith.xori %bitcast3A_410, %xor3A_415 : vector<16xi32>
      %xor3A_417 = arith.constant -2147483648 : i32
      %xor3A_418 = vector.broadcast %xor3A_417 : i32 to vector<16xi32>
      %xor3A_419 = arith.xori %bitcast3A_410, %xor3A_418 : vector<16xi32>
      %select_n3A_420 = arith.select %lt3A_413, %xor3A_416, %xor3A_419 : vector<16xi1>, vector<16xi32>
      %swap3A_421 = arith.index_cast %add3A_342 : i32 to index
      %swap3A_422 = tpu.vector_load %arg13[%swap3A_421] {strides = array<i32>} : memref<512xi32, #tpu.memory_space<vmem>>, vector<16xi32>,
      tpu.vector_store %arg13[%swap3A_421], %select_n3A_420 {strides = array<i32>} : memref<512xi32, #tpu.memory_space<vmem>>, vector<16xi32>,
      %mul3A_423 = arith.constant 64 : i32
      %mul3A_424 = arith.muli %scan3A_254, %mul3A_423 : i32
      %add3A_425 = arith.constant 32 : i32
      %add3A_426 = arith.addi %mul3A_424, %add3A_425 : i32
      %get3A_427 = arith.index_cast %add3A_426 : i32 to index
      %get3A_428 = tpu.vector_load %arg8[%get3A_427] {strides = array<i32>} : memref<512xi32, #tpu.memory_space<vmem>>, vector<16xi32>,
      %convert_element_type3A_429 = arith.sitofp %get3A_428 : vector<16xi32> to vector<16xf32>
      %mul3A_430 = arith.constant 0.0588235296 : f32
      %mul3A_431 = vector.broadcast %mul3A_430 : f32 to vector<16xf32>
      %mul3A_432 = arith.mulf %convert_element_type3A_429, %mul3A_431 : vector<16xf32>
      %convert_element_type3A_433 = arith.fptosi %mul3A_432 : vector<16xf32> to vector<16xi32>
      %mul3A_434 = arith.constant 17 : i32
      %mul3A_435 = vector.broadcast %mul3A_434 : i32 to vector<16xi32>
      %mul3A_436 = arith.muli %convert_element_type3A_433, %mul3A_435 : vector<16xi32>
      %sub3A_437 = arith.subi %get3A_428, %mul3A_436 : vector<16xi32>
      %ge3A_438 = arith.constant 17 : i32
      %ge3A_439 = vector.broadcast %ge3A_438 : i32 to vector<16xi32>
      %ge3A_440 = arith.cmpi sge, %sub3A_437, %ge3A_439 : vector<16xi32>
      %jit3A_441 = arith.constant 17 : i32
      %jit3A_442 = arith.constant 0 : i32
      %broadcast_in_dim3A_443 = vector.broadcast %jit3A_441 : i32 to vector<16xi32>
      %broadcast_in_dim3A_444 = vector.broadcast %jit3A_442 : i32 to vector<16xi32>
      %select_n3A_445 = arith.select %ge3A_440, %broadcast_in_dim3A_443, %broadcast_in_dim3A_444 : vector<16xi1>, vector<16xi32>
      %sub3A_446 = arith.subi %sub3A_437, %select_n3A_445 : vector<16xi32>
      %gather3A_447 = tpu.vector_load_idx %arg11[%sub3A_446] : memref<64xf32, #tpu.memory_space<vmem>>[vector<16xi32>], vector<16xf32>,
      %mul3A_448 = arith.constant 0.0322580636 : f32
      %mul3A_449 = vector.broadcast %mul3A_448 : f32 to vector<16xf32>
      %mul3A_450 = arith.mulf %convert_element_type3A_429, %mul3A_449 : vector<16xf32>
      %convert_element_type3A_451 = arith.fptosi %mul3A_450 : vector<16xf32> to vector<16xi32>
      %mul3A_452 = arith.constant 31 : i32
      %mul3A_453 = vector.broadcast %mul3A_452 : i32 to vector<16xi32>
      %mul3A_454 = arith.muli %convert_element_type3A_451, %mul3A_453 : vector<16xi32>
      %sub3A_455 = arith.subi %get3A_428, %mul3A_454 : vector<16xi32>
      %ge3A_456 = arith.constant 31 : i32
      %ge3A_457 = vector.broadcast %ge3A_456 : i32 to vector<16xi32>
      %ge3A_458 = arith.cmpi sge, %sub3A_455, %ge3A_457 : vector<16xi32>
      %jit3A_459 = arith.constant 31 : i32
      %jit3A_460 = arith.constant 0 : i32
      %broadcast_in_dim3A_461 = vector.broadcast %jit3A_459 : i32 to vector<16xi32>
      %broadcast_in_dim3A_462 = vector.broadcast %jit3A_460 : i32 to vector<16xi32>
      %select_n3A_463 = arith.select %ge3A_458, %broadcast_in_dim3A_461, %broadcast_in_dim3A_462 : vector<16xi1>, vector<16xi32>
      %sub3A_464 = arith.subi %sub3A_455, %select_n3A_463 : vector<16xi32>
      %add3A_465 = arith.constant 17 : i32
      %add3A_466 = vector.broadcast %add3A_465 : i32 to vector<16xi32>
      %add3A_467 = arith.addi %sub3A_464, %add3A_466 : vector<16xi32>
      %gather3A_468 = tpu.vector_load_idx %arg11[%add3A_467] : memref<64xf32, #tpu.memory_space<vmem>>[vector<16xi32>], vector<16xf32>,
      %mul3A_469 = arith.constant 0.142857149 : f32
      %mul3A_470 = vector.broadcast %mul3A_469 : f32 to vector<16xf32>
      %mul3A_471 = arith.mulf %convert_element_type3A_429, %mul3A_470 : vector<16xf32>
      %convert_element_type3A_472 = arith.fptosi %mul3A_471 : vector<16xf32> to vector<16xi32>
      %mul3A_473 = arith.constant 7 : i32
      %mul3A_474 = vector.broadcast %mul3A_473 : i32 to vector<16xi32>
      %mul3A_475 = arith.muli %convert_element_type3A_472, %mul3A_474 : vector<16xi32>
      %sub3A_476 = arith.subi %get3A_428, %mul3A_475 : vector<16xi32>
      %ge3A_477 = arith.constant 7 : i32
      %ge3A_478 = vector.broadcast %ge3A_477 : i32 to vector<16xi32>
      %ge3A_479 = arith.cmpi sge, %sub3A_476, %ge3A_478 : vector<16xi32>
      %jit3A_480 = arith.constant 7 : i32
      %jit3A_481 = arith.constant 0 : i32
      %broadcast_in_dim3A_482 = vector.broadcast %jit3A_480 : i32 to vector<16xi32>
      %broadcast_in_dim3A_483 = vector.broadcast %jit3A_481 : i32 to vector<16xi32>
      %select_n3A_484 = arith.select %ge3A_479, %broadcast_in_dim3A_482, %broadcast_in_dim3A_483 : vector<16xi1>, vector<16xi32>
      %sub3A_485 = arith.subi %sub3A_476, %select_n3A_484 : vector<16xi32>
      %eq3A_486 = arith.constant 0 : i32
      %eq3A_487 = vector.broadcast %eq3A_486 : i32 to vector<16xi32>
      %eq3A_488 = arith.cmpi eq, %sub3A_485, %eq3A_487 : vector<16xi32>
      %select_n3A_489 = arith.select %eq3A_488, %broadcast_in_dim3A_111, %broadcast_in_dim3A_114 : vector<16xi1>, vector<16xf32>
      %add3A_490 = arith.addf %gather3A_447, %gather3A_468 : vector<16xf32>
      %add3A_491 = arith.addf %add3A_490, %select_n3A_489 : vector<16xf32>
      %swap3A_492 = arith.index_cast %add3A_426 : i32 to index
      %swap3A_493 = tpu.vector_load %arg12[%swap3A_492] {strides = array<i32>} : memref<512xf32, #tpu.memory_space<vmem>>, vector<16xf32>,
      tpu.vector_store %arg12[%swap3A_492], %add3A_491 {strides = array<i32>} : memref<512xf32, #tpu.memory_space<vmem>>, vector<16xf32>,
      %bitcast3A_494 = vector.bitcast %add3A_491 : vector<16xf32> to vector<16xi32>
      %lt3A_495 = arith.constant 0 : i32
      %lt3A_496 = vector.broadcast %lt3A_495 : i32 to vector<16xi32>
      %lt3A_497 = arith.cmpi slt, %bitcast3A_494, %lt3A_496 : vector<16xi32>
      %xor3A_498 = arith.constant -1 : i32
      %xor3A_499 = vector.broadcast %xor3A_498 : i32 to vector<16xi32>
      %xor3A_500 = arith.xori %bitcast3A_494, %xor3A_499 : vector<16xi32>
      %xor3A_501 = arith.constant -2147483648 : i32
      %xor3A_502 = vector.broadcast %xor3A_501 : i32 to vector<16xi32>
      %xor3A_503 = arith.xori %bitcast3A_494, %xor3A_502 : vector<16xi32>
      %select_n3A_504 = arith.select %lt3A_497, %xor3A_500, %xor3A_503 : vector<16xi1>, vector<16xi32>
      %swap3A_505 = arith.index_cast %add3A_426 : i32 to index
      %swap3A_506 = tpu.vector_load %arg13[%swap3A_505] {strides = array<i32>} : memref<512xi32, #tpu.memory_space<vmem>>, vector<16xi32>,
      tpu.vector_store %arg13[%swap3A_505], %select_n3A_504 {strides = array<i32>} : memref<512xi32, #tpu.memory_space<vmem>>, vector<16xi32>,
      %mul3A_507 = arith.constant 64 : i32
      %mul3A_508 = arith.muli %scan3A_254, %mul3A_507 : i32
      %add3A_509 = arith.constant 48 : i32
      %add3A_510 = arith.addi %mul3A_508, %add3A_509 : i32
      %get3A_511 = arith.index_cast %add3A_510 : i32 to index
      %get3A_512 = tpu.vector_load %arg8[%get3A_511] {strides = array<i32>} : memref<512xi32, #tpu.memory_space<vmem>>, vector<16xi32>,
      %convert_element_type3A_513 = arith.sitofp %get3A_512 : vector<16xi32> to vector<16xf32>
      %mul3A_514 = arith.constant 0.0588235296 : f32
      %mul3A_515 = vector.broadcast %mul3A_514 : f32 to vector<16xf32>
      %mul3A_516 = arith.mulf %convert_element_type3A_513, %mul3A_515 : vector<16xf32>
      %convert_element_type3A_517 = arith.fptosi %mul3A_516 : vector<16xf32> to vector<16xi32>
      %mul3A_518 = arith.constant 17 : i32
      %mul3A_519 = vector.broadcast %mul3A_518 : i32 to vector<16xi32>
      %mul3A_520 = arith.muli %convert_element_type3A_517, %mul3A_519 : vector<16xi32>
      %sub3A_521 = arith.subi %get3A_512, %mul3A_520 : vector<16xi32>
      %ge3A_522 = arith.constant 17 : i32
      %ge3A_523 = vector.broadcast %ge3A_522 : i32 to vector<16xi32>
      %ge3A_524 = arith.cmpi sge, %sub3A_521, %ge3A_523 : vector<16xi32>
      %jit3A_525 = arith.constant 17 : i32
      %jit3A_526 = arith.constant 0 : i32
      %broadcast_in_dim3A_527 = vector.broadcast %jit3A_525 : i32 to vector<16xi32>
      %broadcast_in_dim3A_528 = vector.broadcast %jit3A_526 : i32 to vector<16xi32>
      %select_n3A_529 = arith.select %ge3A_524, %broadcast_in_dim3A_527, %broadcast_in_dim3A_528 : vector<16xi1>, vector<16xi32>
      %sub3A_530 = arith.subi %sub3A_521, %select_n3A_529 : vector<16xi32>
      %gather3A_531 = tpu.vector_load_idx %arg11[%sub3A_530] : memref<64xf32, #tpu.memory_space<vmem>>[vector<16xi32>], vector<16xf32>,
      %mul3A_532 = arith.constant 0.0322580636 : f32
      %mul3A_533 = vector.broadcast %mul3A_532 : f32 to vector<16xf32>
      %mul3A_534 = arith.mulf %convert_element_type3A_513, %mul3A_533 : vector<16xf32>
      %convert_element_type3A_535 = arith.fptosi %mul3A_534 : vector<16xf32> to vector<16xi32>
      %mul3A_536 = arith.constant 31 : i32
      %mul3A_537 = vector.broadcast %mul3A_536 : i32 to vector<16xi32>
      %mul3A_538 = arith.muli %convert_element_type3A_535, %mul3A_537 : vector<16xi32>
      %sub3A_539 = arith.subi %get3A_512, %mul3A_538 : vector<16xi32>
      %ge3A_540 = arith.constant 31 : i32
      %ge3A_541 = vector.broadcast %ge3A_540 : i32 to vector<16xi32>
      %ge3A_542 = arith.cmpi sge, %sub3A_539, %ge3A_541 : vector<16xi32>
      %jit3A_543 = arith.constant 31 : i32
      %jit3A_544 = arith.constant 0 : i32
      %broadcast_in_dim3A_545 = vector.broadcast %jit3A_543 : i32 to vector<16xi32>
      %broadcast_in_dim3A_546 = vector.broadcast %jit3A_544 : i32 to vector<16xi32>
      %select_n3A_547 = arith.select %ge3A_542, %broadcast_in_dim3A_545, %broadcast_in_dim3A_546 : vector<16xi1>, vector<16xi32>
      %sub3A_548 = arith.subi %sub3A_539, %select_n3A_547 : vector<16xi32>
      %add3A_549 = arith.constant 17 : i32
      %add3A_550 = vector.broadcast %add3A_549 : i32 to vector<16xi32>
      %add3A_551 = arith.addi %sub3A_548, %add3A_550 : vector<16xi32>
      %gather3A_552 = tpu.vector_load_idx %arg11[%add3A_551] : memref<64xf32, #tpu.memory_space<vmem>>[vector<16xi32>], vector<16xf32>,
      %mul3A_553 = arith.constant 0.142857149 : f32
      %mul3A_554 = vector.broadcast %mul3A_553 : f32 to vector<16xf32>
      %mul3A_555 = arith.mulf %convert_element_type3A_513, %mul3A_554 : vector<16xf32>
      %convert_element_type3A_556 = arith.fptosi %mul3A_555 : vector<16xf32> to vector<16xi32>
      %mul3A_557 = arith.constant 7 : i32
      %mul3A_558 = vector.broadcast %mul3A_557 : i32 to vector<16xi32>
      %mul3A_559 = arith.muli %convert_element_type3A_556, %mul3A_558 : vector<16xi32>
      %sub3A_560 = arith.subi %get3A_512, %mul3A_559 : vector<16xi32>
      %ge3A_561 = arith.constant 7 : i32
      %ge3A_562 = vector.broadcast %ge3A_561 : i32 to vector<16xi32>
      %ge3A_563 = arith.cmpi sge, %sub3A_560, %ge3A_562 : vector<16xi32>
      %jit3A_564 = arith.constant 7 : i32
      %jit3A_565 = arith.constant 0 : i32
      %broadcast_in_dim3A_566 = vector.broadcast %jit3A_564 : i32 to vector<16xi32>
      %broadcast_in_dim3A_567 = vector.broadcast %jit3A_565 : i32 to vector<16xi32>
      %select_n3A_568 = arith.select %ge3A_563, %broadcast_in_dim3A_566, %broadcast_in_dim3A_567 : vector<16xi1>, vector<16xi32>
      %sub3A_569 = arith.subi %sub3A_560, %select_n3A_568 : vector<16xi32>
      %eq3A_570 = arith.constant 0 : i32
      %eq3A_571 = vector.broadcast %eq3A_570 : i32 to vector<16xi32>
      %eq3A_572 = arith.cmpi eq, %sub3A_569, %eq3A_571 : vector<16xi32>
      %select_n3A_573 = arith.select %eq3A_572, %broadcast_in_dim3A_111, %broadcast_in_dim3A_114 : vector<16xi1>, vector<16xf32>
      %add3A_574 = arith.addf %gather3A_531, %gather3A_552 : vector<16xf32>
      %add3A_575 = arith.addf %add3A_574, %select_n3A_573 : vector<16xf32>
      %swap3A_576 = arith.index_cast %add3A_510 : i32 to index
      %swap3A_577 = tpu.vector_load %arg12[%swap3A_576] {strides = array<i32>} : memref<512xf32, #tpu.memory_space<vmem>>, vector<16xf32>,
      tpu.vector_store %arg12[%swap3A_576], %add3A_575 {strides = array<i32>} : memref<512xf32, #tpu.memory_space<vmem>>, vector<16xf32>,
      %bitcast3A_578 = vector.bitcast %add3A_575 : vector<16xf32> to vector<16xi32>
      %lt3A_579 = arith.constant 0 : i32
      %lt3A_580 = vector.broadcast %lt3A_579 : i32 to vector<16xi32>
      %lt3A_581 = arith.cmpi slt, %bitcast3A_578, %lt3A_580 : vector<16xi32>
      %xor3A_582 = arith.constant -1 : i32
      %xor3A_583 = vector.broadcast %xor3A_582 : i32 to vector<16xi32>
      %xor3A_584 = arith.xori %bitcast3A_578, %xor3A_583 : vector<16xi32>
      %xor3A_585 = arith.constant -2147483648 : i32
      %xor3A_586 = vector.broadcast %xor3A_585 : i32 to vector<16xi32>
      %xor3A_587 = arith.xori %bitcast3A_578, %xor3A_586 : vector<16xi32>
      %select_n3A_588 = arith.select %lt3A_581, %xor3A_584, %xor3A_587 : vector<16xi1>, vector<16xi32>
      %swap3A_589 = arith.index_cast %add3A_510 : i32 to index
      %swap3A_590 = tpu.vector_load %arg13[%swap3A_589] {strides = array<i32>} : memref<512xi32, #tpu.memory_space<vmem>>, vector<16xi32>,
      tpu.vector_store %arg13[%swap3A_589], %select_n3A_588 {strides = array<i32>} : memref<512xi32, #tpu.memory_space<vmem>>, vector<16xi32>,
    }
    %scan3A_119 = arith.constant 8 : i32
    %scan3A_120 = arith.constant 0 : i32
    %scan3A_121 = arith.constant 64 : i32
    %scan3A_122 = arith.constant 0 : i32
    %scan3A_123 = arith.constant 4 : i32
    %scan3A_124 = arith.addi %scan3A_122, %scan3A_123 : i32
    %scan3A_125 = arith.constant 1 : i32
    %scan3A_126:2 = scf.for %scan3A_254 = %scan3A_122 to %scan3A_124 step %scan3A_125 iter_args(%scan3A_255 = %scan3A_120, %scan3A_256 = %scan3A_121) -> (i32, i32)  : i32 {
      %sub3A_257 = arith.constant 3 : i32
      %sub3A_258 = arith.subi %sub3A_257, %scan3A_254 : i32
      %mul3A_259 = arith.constant 8 : i32
      %mul3A_260 = arith.muli %sub3A_258, %mul3A_259 : i32
      %shift_left3A = arith.constant -1 : i32
      %shift_left3A_261 = arith.shli %shift_left3A, %mul3A_260 : i32
      %shift_left3A_262 = arith.constant 8 : i32
      %shift_left3A_263 = arith.shli %shift_left3A_261, %shift_left3A_262 : i32
      %broadcast_in_dim3A_264 = vector.broadcast %shift_left3A_263 : i32 to vector<16xi32>
      %broadcast_in_dim3A_265 = vector.broadcast %scan3A_255 : i32 to vector<16xi32>
      %scan3A_266 = arith.constant 0 : i32
      %scan3A_267 = arith.constant 0 : i32
      %scan3A_268 = arith.constant 17 : i32
      %scan3A_269 = arith.addi %scan3A_267, %scan3A_268 : i32
      %scan3A_270 = arith.constant 1 : i32
      scf.for %scan3A_437 = %scan3A_267 to %scan3A_269 step %scan3A_270  : i32 {
        %mul3A_438 = arith.constant 16 : i32
        %mul3A_439 = arith.muli %scan3A_437, %mul3A_438 : i32
        %swap3A_440 = arith.index_cast %mul3A_439 : i32 to index
        %swap3A_441 = tpu.vector_load %arg14[%swap3A_440] {strides = array<i32>} : memref<272xi32, #tpu.memory_space<vmem>>, vector<16xi32>,
        tpu.vector_store %arg14[%swap3A_440], %broadcast_in_dim3A_33 {strides = array<i32>} : memref<272xi32, #tpu.memory_space<vmem>>, vector<16xi32>,
      }
      %scan3A_271 = arith.constant 17 : i32
      %scan3A_272 = arith.constant 0 : i32
      %scan3A_273 = arith.constant 0 : i32
      %scan3A_274 = arith.constant 8 : i32
      %scan3A_275 = arith.addi %scan3A_273, %scan3A_274 : i32
      %scan3A_276 = arith.constant 1 : i32
      scf.for %scan3A_437 = %scan3A_273 to %scan3A_275 step %scan3A_276  : i32 {
        %mul3A_438 = arith.constant 64 : i32
        %mul3A_439 = arith.muli %scan3A_437, %mul3A_438 : i32
        %add3A_440 = arith.constant 0 : i32
        %add3A_441 = arith.addi %mul3A_439, %add3A_440 : i32
        %get3A_442 = arith.index_cast %add3A_441 : i32 to index
        %get3A_443 = tpu.vector_load %arg13[%get3A_442] {strides = array<i32>} : memref<512xi32, #tpu.memory_space<vmem>>, vector<16xi32>,
        %and3A_444 = arith.andi %get3A_443, %broadcast_in_dim3A_264 : vector<16xi32>
        %eq3A_445 = arith.cmpi eq, %and3A_444, %broadcast_in_dim3A_265 : vector<16xi32>
        %shift_right_logical3A = vector.broadcast %mul3A_260 : i32 to vector<16xi32>
        %shift_right_logical3A_446 = arith.shrui %get3A_443, %shift_right_logical3A : vector<16xi32>
        %and3A_447 = arith.constant 255 : i32
        %and3A_448 = vector.broadcast %and3A_447 : i32 to vector<16xi32>
        %and3A_449 = arith.andi %shift_right_logical3A_446, %and3A_448 : vector<16xi32>
        tpu.vector_store_idx %arg14[%and3A_449], %broadcast_in_dim3A_35 masked %eq3A_445 {add = true} : memref<272xi32, #tpu.memory_space<vmem>>[vector<16xi32>], vector<16xi32>, vector<16xi1>
        %shift_right_logical3A_450 = arith.constant 4 : i32
        %shift_right_logical3A_451 = vector.broadcast %shift_right_logical3A_450 : i32 to vector<16xi32>
        %shift_right_logical3A_452 = arith.shrui %and3A_449, %shift_right_logical3A_451 : vector<16xi32>
        %add3A_453 = arith.constant 256 : i32
        %add3A_454 = vector.broadcast %add3A_453 : i32 to vector<16xi32>
        %add3A_455 = arith.addi %shift_right_logical3A_452, %add3A_454 : vector<16xi32>
        tpu.vector_store_idx %arg14[%add3A_455], %broadcast_in_dim3A_35 masked %eq3A_445 {add = true} : memref<272xi32, #tpu.memory_space<vmem>>[vector<16xi32>], vector<16xi32>, vector<16xi1>
        %mul3A_456 = arith.constant 64 : i32
        %mul3A_457 = arith.muli %scan3A_437, %mul3A_456 : i32
        %add3A_458 = arith.constant 16 : i32
        %add3A_459 = arith.addi %mul3A_457, %add3A_458 : i32
        %get3A_460 = arith.index_cast %add3A_459 : i32 to index
        %get3A_461 = tpu.vector_load %arg13[%get3A_460] {strides = array<i32>} : memref<512xi32, #tpu.memory_space<vmem>>, vector<16xi32>,
        %and3A_462 = arith.andi %get3A_461, %broadcast_in_dim3A_264 : vector<16xi32>
        %eq3A_463 = arith.cmpi eq, %and3A_462, %broadcast_in_dim3A_265 : vector<16xi32>
        %shift_right_logical3A_464 = vector.broadcast %mul3A_260 : i32 to vector<16xi32>
        %shift_right_logical3A_465 = arith.shrui %get3A_461, %shift_right_logical3A_464 : vector<16xi32>
        %and3A_466 = arith.constant 255 : i32
        %and3A_467 = vector.broadcast %and3A_466 : i32 to vector<16xi32>
        %and3A_468 = arith.andi %shift_right_logical3A_465, %and3A_467 : vector<16xi32>
        tpu.vector_store_idx %arg14[%and3A_468], %broadcast_in_dim3A_35 masked %eq3A_463 {add = true} : memref<272xi32, #tpu.memory_space<vmem>>[vector<16xi32>], vector<16xi32>, vector<16xi1>
        %shift_right_logical3A_469 = arith.constant 4 : i32
        %shift_right_logical3A_470 = vector.broadcast %shift_right_logical3A_469 : i32 to vector<16xi32>
        %shift_right_logical3A_471 = arith.shrui %and3A_468, %shift_right_logical3A_470 : vector<16xi32>
        %add3A_472 = arith.constant 256 : i32
        %add3A_473 = vector.broadcast %add3A_472 : i32 to vector<16xi32>
        %add3A_474 = arith.addi %shift_right_logical3A_471, %add3A_473 : vector<16xi32>
        tpu.vector_store_idx %arg14[%add3A_474], %broadcast_in_dim3A_35 masked %eq3A_463 {add = true} : memref<272xi32, #tpu.memory_space<vmem>>[vector<16xi32>], vector<16xi32>, vector<16xi1>
        %mul3A_475 = arith.constant 64 : i32
        %mul3A_476 = arith.muli %scan3A_437, %mul3A_475 : i32
        %add3A_477 = arith.constant 32 : i32
        %add3A_478 = arith.addi %mul3A_476, %add3A_477 : i32
        %get3A_479 = arith.index_cast %add3A_478 : i32 to index
        %get3A_480 = tpu.vector_load %arg13[%get3A_479] {strides = array<i32>} : memref<512xi32, #tpu.memory_space<vmem>>, vector<16xi32>,
        %and3A_481 = arith.andi %get3A_480, %broadcast_in_dim3A_264 : vector<16xi32>
        %eq3A_482 = arith.cmpi eq, %and3A_481, %broadcast_in_dim3A_265 : vector<16xi32>
        %shift_right_logical3A_483 = vector.broadcast %mul3A_260 : i32 to vector<16xi32>
        %shift_right_logical3A_484 = arith.shrui %get3A_480, %shift_right_logical3A_483 : vector<16xi32>
        %and3A_485 = arith.constant 255 : i32
        %and3A_486 = vector.broadcast %and3A_485 : i32 to vector<16xi32>
        %and3A_487 = arith.andi %shift_right_logical3A_484, %and3A_486 : vector<16xi32>
        tpu.vector_store_idx %arg14[%and3A_487], %broadcast_in_dim3A_35 masked %eq3A_482 {add = true} : memref<272xi32, #tpu.memory_space<vmem>>[vector<16xi32>], vector<16xi32>, vector<16xi1>
        %shift_right_logical3A_488 = arith.constant 4 : i32
        %shift_right_logical3A_489 = vector.broadcast %shift_right_logical3A_488 : i32 to vector<16xi32>
        %shift_right_logical3A_490 = arith.shrui %and3A_487, %shift_right_logical3A_489 : vector<16xi32>
        %add3A_491 = arith.constant 256 : i32
        %add3A_492 = vector.broadcast %add3A_491 : i32 to vector<16xi32>
        %add3A_493 = arith.addi %shift_right_logical3A_490, %add3A_492 : vector<16xi32>
        tpu.vector_store_idx %arg14[%add3A_493], %broadcast_in_dim3A_35 masked %eq3A_482 {add = true} : memref<272xi32, #tpu.memory_space<vmem>>[vector<16xi32>], vector<16xi32>, vector<16xi1>
        %mul3A_494 = arith.constant 64 : i32
        %mul3A_495 = arith.muli %scan3A_437, %mul3A_494 : i32
        %add3A_496 = arith.constant 48 : i32
        %add3A_497 = arith.addi %mul3A_495, %add3A_496 : i32
        %get3A_498 = arith.index_cast %add3A_497 : i32 to index
        %get3A_499 = tpu.vector_load %arg13[%get3A_498] {strides = array<i32>} : memref<512xi32, #tpu.memory_space<vmem>>, vector<16xi32>,
        %and3A_500 = arith.andi %get3A_499, %broadcast_in_dim3A_264 : vector<16xi32>
        %eq3A_501 = arith.cmpi eq, %and3A_500, %broadcast_in_dim3A_265 : vector<16xi32>
        %shift_right_logical3A_502 = vector.broadcast %mul3A_260 : i32 to vector<16xi32>
        %shift_right_logical3A_503 = arith.shrui %get3A_499, %shift_right_logical3A_502 : vector<16xi32>
        %and3A_504 = arith.constant 255 : i32
        %and3A_505 = vector.broadcast %and3A_504 : i32 to vector<16xi32>
        %and3A_506 = arith.andi %shift_right_logical3A_503, %and3A_505 : vector<16xi32>
        tpu.vector_store_idx %arg14[%and3A_506], %broadcast_in_dim3A_35 masked %eq3A_501 {add = true} : memref<272xi32, #tpu.memory_space<vmem>>[vector<16xi32>], vector<16xi32>, vector<16xi1>
        %shift_right_logical3A_507 = arith.constant 4 : i32
        %shift_right_logical3A_508 = vector.broadcast %shift_right_logical3A_507 : i32 to vector<16xi32>
        %shift_right_logical3A_509 = arith.shrui %and3A_506, %shift_right_logical3A_508 : vector<16xi32>
        %add3A_510 = arith.constant 256 : i32
        %add3A_511 = vector.broadcast %add3A_510 : i32 to vector<16xi32>
        %add3A_512 = arith.addi %shift_right_logical3A_509, %add3A_511 : vector<16xi32>
        tpu.vector_store_idx %arg14[%add3A_512], %broadcast_in_dim3A_35 masked %eq3A_501 {add = true} : memref<272xi32, #tpu.memory_space<vmem>>[vector<16xi32>], vector<16xi32>, vector<16xi1>
      }
      %scan3A_277 = arith.constant 8 : i32
      %mul3A_278 = arith.constant 2 : i32
      %mul3A_279 = arith.muli %sub3A_258, %mul3A_278 : i32
      %add3A_280 = arith.addi %mul3A_279, %select_n3A : i32
      %mul3A_281 = arith.constant 8 : i32
      %mul3A_282 = arith.muli %add3A_280, %mul3A_281 : i32
      %add3A_283 = arith.addi %mul3A_282, %select_n3A_28 : i32
      %mul3A_284 = arith.constant 272 : i32
      %mul3A_285 = arith.muli %add3A_283, %mul3A_284 : i32
      "tpu.region"() ({
        %run_scoped3A = tpu.sem_alloc : memref<!tpu.dma_semaphore, #tpu.memory_space<semaphore_mem>>
        %dma_start3A = tpu.memref_slice %arg21[%mul3A_285] : memref<17408xi32, #tpu.memory_space<vmem_shared>> -> memref<272xi32, #tpu.memory_space<vmem_shared>>
        %dma_start3A_437 = tpu.memref_slice %arg21[%mul3A_285] : memref<17408xi32, #tpu.memory_space<vmem_shared>> -> memref<272xi32, #tpu.memory_space<vmem_shared>>
        tpu.enqueue_dma source(%arg14 : memref<272xi32, #tpu.memory_space<vmem>>) target(%dma_start3A_437 : memref<272xi32, #tpu.memory_space<vmem_shared>>) target_semaphore(%run_scoped3A : memref<!tpu.dma_semaphore, #tpu.memory_space<semaphore_mem>>)
        %dma_wait3A = tpu.memref_slice %arg21[%mul3A_285] : memref<17408xi32, #tpu.memory_space<vmem_shared>> -> memref<272xi32, #tpu.memory_space<vmem_shared>>
        %dma_wait3A_438 = tpu.memref_slice %arg21[%mul3A_285] : memref<17408xi32, #tpu.memory_space<vmem_shared>> -> memref<272xi32, #tpu.memory_space<vmem_shared>>
        tpu.wait_dma2 semaphore(%run_scoped3A : memref<!tpu.dma_semaphore, #tpu.memory_space<semaphore_mem>>) src(%arg14 : memref<272xi32, #tpu.memory_space<vmem>>) dst(%dma_wait3A_438 : memref<272xi32, #tpu.memory_space<vmem_shared>>)
        tpu.yield
      }) : () -> ()
      %barrier3A_286 = arith.constant 0 : index
      tpu.barrier barrier_id(%barrier3A_286)
      %mul3A_287 = arith.constant 2 : i32
      %mul3A_288 = arith.muli %sub3A_258, %mul3A_287 : i32
      %add3A_289 = arith.addi %mul3A_288, %select_n3A : i32
      %mul3A_290 = arith.constant 2176 : i32
      %mul3A_291 = arith.muli %add3A_289, %mul3A_290 : i32
      "tpu.region"() ({
        %run_scoped3A = tpu.sem_alloc : memref<!tpu.dma_semaphore, #tpu.memory_space<semaphore_mem>>
        %dma_start3A = tpu.memref_slice %arg21[%mul3A_291] : memref<17408xi32, #tpu.memory_space<vmem_shared>> -> memref<2176xi32, #tpu.memory_space<vmem_shared>>
        %dma_start3A_437 = tpu.memref_slice %arg21[%mul3A_291] : memref<17408xi32, #tpu.memory_space<vmem_shared>> -> memref<2176xi32, #tpu.memory_space<vmem_shared>>
        tpu.enqueue_dma source(%dma_start3A_437 : memref<2176xi32, #tpu.memory_space<vmem_shared>>) target(%arg15 : memref<2176xi32, #tpu.memory_space<vmem>>) target_semaphore(%run_scoped3A : memref<!tpu.dma_semaphore, #tpu.memory_space<semaphore_mem>>)
        %dma_wait3A = tpu.memref_slice %arg21[%mul3A_291] : memref<17408xi32, #tpu.memory_space<vmem_shared>> -> memref<2176xi32, #tpu.memory_space<vmem_shared>>
        %dma_wait3A_438 = tpu.memref_slice %arg21[%mul3A_291] : memref<17408xi32, #tpu.memory_space<vmem_shared>> -> memref<2176xi32, #tpu.memory_space<vmem_shared>>
        tpu.wait_dma2 semaphore(%run_scoped3A : memref<!tpu.dma_semaphore, #tpu.memory_space<semaphore_mem>>) src(%dma_wait3A_438 : memref<2176xi32, #tpu.memory_space<vmem_shared>>) dst(%arg15 : memref<2176xi32, #tpu.memory_space<vmem>>)
        tpu.yield
      }) : () -> ()
      %broadcast_in_dim3A_292 = vector.broadcast %scan3A_256 : i32 to vector<16xi32>
      %get3A_293 = arith.constant 256 : index
      %get3A_294 = tpu.vector_load %arg15[%get3A_293] {strides = array<i32>} : memref<2176xi32, #tpu.memory_space<vmem>>, vector<16xi32>,
      %get3A_295 = arith.constant 528 : index
      %get3A_296 = tpu.vector_load %arg15[%get3A_295] {strides = array<i32>} : memref<2176xi32, #tpu.memory_space<vmem>>, vector<16xi32>,
      %add3A_297 = arith.addi %get3A_294, %get3A_296 : vector<16xi32>
      %get3A_298 = arith.constant 800 : index
      %get3A_299 = tpu.vector_load %arg15[%get3A_298] {strides = array<i32>} : memref<2176xi32, #tpu.memory_space<vmem>>, vector<16xi32>,
      %add3A_300 = arith.addi %add3A_297, %get3A_299 : vector<16xi32>
      %get3A_301 = arith.constant 1072 : index
      %get3A_302 = tpu.vector_load %arg15[%get3A_301] {strides = array<i32>} : memref<2176xi32, #tpu.memory_space<vmem>>, vector<16xi32>,
      %add3A_303 = arith.addi %add3A_300, %get3A_302 : vector<16xi32>
      %get3A_304 = arith.constant 1344 : index
      %get3A_305 = tpu.vector_load %arg15[%get3A_304] {strides = array<i32>} : memref<2176xi32, #tpu.memory_space<vmem>>, vector<16xi32>,
      %add3A_306 = arith.addi %add3A_303, %get3A_305 : vector<16xi32>
      %get3A_307 = arith.constant 1616 : index
      %get3A_308 = tpu.vector_load %arg15[%get3A_307] {strides = array<i32>} : memref<2176xi32, #tpu.memory_space<vmem>>, vector<16xi32>,
      %add3A_309 = arith.addi %add3A_306, %get3A_308 : vector<16xi32>
      %get3A_310 = arith.constant 1888 : index
      %get3A_311 = tpu.vector_load %arg15[%get3A_310] {strides = array<i32>} : memref<2176xi32, #tpu.memory_space<vmem>>, vector<16xi32>,
      %add3A_312 = arith.addi %add3A_309, %get3A_311 : vector<16xi32>
      %get3A_313 = arith.constant 2160 : index
      %get3A_314 = tpu.vector_load %arg15[%get3A_313] {strides = array<i32>} : memref<2176xi32, #tpu.memory_space<vmem>>, vector<16xi32>,
      %add3A_315 = arith.addi %add3A_312, %get3A_314 : vector<16xi32>
      %rev3A = arith.constant 15 : i32
      %rev3A_316 = vector.broadcast %rev3A : i32 to vector<16xi32>
      %rev3A_317 = tpu.iota {dimensions = array<i32: 0>} : vector<16xi32>
      %rev3A_318 = arith.subi %rev3A_316, %rev3A_317 : vector<16xi32>
      %rev3A_319 = tpu.dynamic_gather %add3A_315[%rev3A_318] in [0] : vector<16xi32>, vector<16xi32> -> vector<16xi32>
      %broadcast_in_dim3A_320 = arith.constant true
      %broadcast_in_dim3A_321 = vector.broadcast %broadcast_in_dim3A_320 : i1 to vector<16xi1>
      %masked_cumsum3A = tpu.scan <sum>, %rev3A_319 masked %broadcast_in_dim3A_321 : vector<16xi32>, vector<16xi1> -> vector<16xi32>
      %rev3A_322 = arith.constant 15 : i32
      %rev3A_323 = vector.broadcast %rev3A_322 : i32 to vector<16xi32>
      %rev3A_324 = tpu.iota {dimensions = array<i32: 0>} : vector<16xi32>
      %rev3A_325 = arith.subi %rev3A_323, %rev3A_324 : vector<16xi32>
      %rev3A_326 = tpu.dynamic_gather %masked_cumsum3A[%rev3A_325] in [0] : vector<16xi32>, vector<16xi32> -> vector<16xi32>
      %sub3A_327 = arith.subi %rev3A_326, %add3A_315 : vector<16xi32>
      %lt3A_328 = arith.cmpi slt, %sub3A_327, %broadcast_in_dim3A_292 : vector<16xi32>
      %ge3A_329 = arith.cmpi sge, %rev3A_326, %broadcast_in_dim3A_292 : vector<16xi32>
      %and3A_330 = arith.andi %lt3A_328, %ge3A_329 : vector<16xi1>
      %jit3A_331 = arith.constant -1 : i32
      %broadcast_in_dim3A_332 = vector.broadcast %jit3A_331 : i32 to vector<16xi32>
      %select_n3A_333 = arith.select %and3A_330, %iota3A, %broadcast_in_dim3A_332 : vector<16xi1>, vector<16xi32>
      %reduce_max3A = arith.constant true
      %reduce_max3A_334 = vector.broadcast %reduce_max3A : i1 to vector<16xi1>
      %reduce_max3A_335 = arith.constant -2147483648 : i32
      %reduce_max3A_336 = vector.broadcast %reduce_max3A_335 : i32 to vector<16xi32>
      %reduce_max3A_337 = arith.xori %select_n3A_333, %reduce_max3A_336 : vector<16xi32>
      %reduce_max3A_338 = tpu.scan <max>, %reduce_max3A_337 masked %reduce_max3A_334 : vector<16xi32>, vector<16xi1> -> vector<16xi32>
      %reduce_max3A_339 = arith.xori %reduce_max3A_338, %reduce_max3A_336 : vector<16xi32>
      %reduce_max3A_340 = vector.extract %reduce_max3A_339[15] : i32 from vector<16xi32>
      %jit3A_341 = arith.constant -1 : i32
      %broadcast_in_dim3A_342 = vector.broadcast %jit3A_341 : i32 to vector<16xi32>
      %select_n3A_343 = arith.select %and3A_330, %sub3A_327, %broadcast_in_dim3A_342 : vector<16xi1>, vector<16xi32>
      %reduce_max3A_344 = arith.constant true
      %reduce_max3A_345 = vector.broadcast %reduce_max3A_344 : i1 to vector<16xi1>
      %reduce_max3A_346 = arith.constant -2147483648 : i32
      %reduce_max3A_347 = vector.broadcast %reduce_max3A_346 : i32 to vector<16xi32>
      %reduce_max3A_348 = arith.xori %select_n3A_343, %reduce_max3A_347 : vector<16xi32>
      %reduce_max3A_349 = tpu.scan <max>, %reduce_max3A_348 masked %reduce_max3A_345 : vector<16xi32>, vector<16xi1> -> vector<16xi32>
      %reduce_max3A_350 = arith.xori %reduce_max3A_349, %reduce_max3A_347 : vector<16xi32>
      %reduce_max3A_351 = vector.extract %reduce_max3A_350[15] : i32 from vector<16xi32>
      %mul3A_352 = arith.constant 16 : i32
      %mul3A_353 = arith.muli %reduce_max3A_340, %mul3A_352 : i32
      %get3A_354 = arith.index_cast %mul3A_353 : i32 to index
      %get3A_355 = tpu.vector_load %arg15[%get3A_354] {strides = array<i32>} : memref<2176xi32, #tpu.memory_space<vmem>>, vector<16xi32>,
      %add3A_356 = arith.constant 272 : i32
      %add3A_357 = arith.addi %add3A_356, %mul3A_353 : i32
      %get3A_358 = arith.index_cast %add3A_357 : i32 to index
      %get3A_359 = tpu.vector_load %arg15[%get3A_358] {strides = array<i32>} : memref<2176xi32, #tpu.memory_space<vmem>>, vector<16xi32>,
      %add3A_360 = arith.addi %get3A_355, %get3A_359 : vector<16xi32>
      %add3A_361 = arith.constant 544 : i32
      %add3A_362 = arith.addi %add3A_361, %mul3A_353 : i32
      %get3A_363 = arith.index_cast %add3A_362 : i32 to index
      %get3A_364 = tpu.vector_load %arg15[%get3A_363] {strides = array<i32>} : memref<2176xi32, #tpu.memory_space<vmem>>, vector<16xi32>,
      %add3A_365 = arith.addi %add3A_360, %get3A_364 : vector<16xi32>
      %add3A_366 = arith.constant 816 : i32
      %add3A_367 = arith.addi %add3A_366, %mul3A_353 : i32
      %get3A_368 = arith.index_cast %add3A_367 : i32 to index
      %get3A_369 = tpu.vector_load %arg15[%get3A_368] {strides = array<i32>} : memref<2176xi32, #tpu.memory_space<vmem>>, vector<16xi32>,
      %add3A_370 = arith.addi %add3A_365, %get3A_369 : vector<16xi32>
      %add3A_371 = arith.constant 1088 : i32
      %add3A_372 = arith.addi %add3A_371, %mul3A_353 : i32
      %get3A_373 = arith.index_cast %add3A_372 : i32 to index
      %get3A_374 = tpu.vector_load %arg15[%get3A_373] {strides = array<i32>} : memref<2176xi32, #tpu.memory_space<vmem>>, vector<16xi32>,
      %add3A_375 = arith.addi %add3A_370, %get3A_374 : vector<16xi32>
      %add3A_376 = arith.constant 1360 : i32
      %add3A_377 = arith.addi %add3A_376, %mul3A_353 : i32
      %get3A_378 = arith.index_cast %add3A_377 : i32 to index
      %get3A_379 = tpu.vector_load %arg15[%get3A_378] {strides = array<i32>} : memref<2176xi32, #tpu.memory_space<vmem>>, vector<16xi32>,
      %add3A_380 = arith.addi %add3A_375, %get3A_379 : vector<16xi32>
      %add3A_381 = arith.constant 1632 : i32
      %add3A_382 = arith.addi %add3A_381, %mul3A_353 : i32
      %get3A_383 = arith.index_cast %add3A_382 : i32 to index
      %get3A_384 = tpu.vector_load %arg15[%get3A_383] {strides = array<i32>} : memref<2176xi32, #tpu.memory_space<vmem>>, vector<16xi32>,
      %add3A_385 = arith.addi %add3A_380, %get3A_384 : vector<16xi32>
      %add3A_386 = arith.constant 1904 : i32
      %add3A_387 = arith.addi %add3A_386, %mul3A_353 : i32
      %get3A_388 = arith.index_cast %add3A_387 : i32 to index
      %get3A_389 = tpu.vector_load %arg15[%get3A_388] {strides = array<i32>} : memref<2176xi32, #tpu.memory_space<vmem>>, vector<16xi32>,
      %add3A_390 = arith.addi %add3A_385, %get3A_389 : vector<16xi32>
      %rev3A_391 = arith.constant 15 : i32
      %rev3A_392 = vector.broadcast %rev3A_391 : i32 to vector<16xi32>
      %rev3A_393 = tpu.iota {dimensions = array<i32: 0>} : vector<16xi32>
      %rev3A_394 = arith.subi %rev3A_392, %rev3A_393 : vector<16xi32>
      %rev3A_395 = tpu.dynamic_gather %add3A_390[%rev3A_394] in [0] : vector<16xi32>, vector<16xi32> -> vector<16xi32>
      %broadcast_in_dim3A_396 = arith.constant true
      %broadcast_in_dim3A_397 = vector.broadcast %broadcast_in_dim3A_396 : i1 to vector<16xi1>
      %masked_cumsum3A_398 = tpu.scan <sum>, %rev3A_395 masked %broadcast_in_dim3A_397 : vector<16xi32>, vector<16xi1> -> vector<16xi32>
      %rev3A_399 = arith.constant 15 : i32
      %rev3A_400 = vector.broadcast %rev3A_399 : i32 to vector<16xi32>
      %rev3A_401 = tpu.iota {dimensions = array<i32: 0>} : vector<16xi32>
      %rev3A_402 = arith.subi %rev3A_400, %rev3A_401 : vector<16xi32>
      %rev3A_403 = tpu.dynamic_gather %masked_cumsum3A_398[%rev3A_402] in [0] : vector<16xi32>, vector<16xi32> -> vector<16xi32>
      %sub3A_404 = arith.subi %rev3A_403, %add3A_390 : vector<16xi32>
      %broadcast_in_dim3A_405 = vector.broadcast %reduce_max3A_351 : i32 to vector<16xi32>
      %add3A_406 = arith.addi %sub3A_404, %broadcast_in_dim3A_405 : vector<16xi32>
      %lt3A_407 = arith.cmpi slt, %add3A_406, %broadcast_in_dim3A_292 : vector<16xi32>
      %add3A_408 = arith.addi %add3A_406, %add3A_390 : vector<16xi32>
      %ge3A_409 = arith.cmpi sge, %add3A_408, %broadcast_in_dim3A_292 : vector<16xi32>
      %and3A_410 = arith.andi %lt3A_407, %ge3A_409 : vector<16xi1>
      %broadcast_in_dim3A_411 = vector.broadcast %mul3A_353 : i32 to vector<16xi32>
      %add3A_412 = arith.addi %iota3A, %broadcast_in_dim3A_411 : vector<16xi32>
      %jit3A_413 = arith.constant -1 : i32
      %broadcast_in_dim3A_414 = vector.broadcast %jit3A_413 : i32 to vector<16xi32>
      %select_n3A_415 = arith.select %and3A_410, %add3A_412, %broadcast_in_dim3A_414 : vector<16xi1>, vector<16xi32>
      %reduce_max3A_416 = arith.constant true
      %reduce_max3A_417 = vector.broadcast %reduce_max3A_416 : i1 to vector<16xi1>
      %reduce_max3A_418 = arith.constant -2147483648 : i32
      %reduce_max3A_419 = vector.broadcast %reduce_max3A_418 : i32 to vector<16xi32>
      %reduce_max3A_420 = arith.xori %select_n3A_415, %reduce_max3A_419 : vector<16xi32>
      %reduce_max3A_421 = tpu.scan <max>, %reduce_max3A_420 masked %reduce_max3A_417 : vector<16xi32>, vector<16xi1> -> vector<16xi32>
      %reduce_max3A_422 = arith.xori %reduce_max3A_421, %reduce_max3A_419 : vector<16xi32>
      %reduce_max3A_423 = vector.extract %reduce_max3A_422[15] : i32 from vector<16xi32>
      %jit3A_424 = arith.constant -1 : i32
      %broadcast_in_dim3A_425 = vector.broadcast %jit3A_424 : i32 to vector<16xi32>
      %select_n3A_426 = arith.select %and3A_410, %add3A_406, %broadcast_in_dim3A_425 : vector<16xi1>, vector<16xi32>
      %reduce_max3A_427 = arith.constant true
      %reduce_max3A_428 = vector.broadcast %reduce_max3A_427 : i1 to vector<16xi1>
      %reduce_max3A_429 = arith.constant -2147483648 : i32
      %reduce_max3A_430 = vector.broadcast %reduce_max3A_429 : i32 to vector<16xi32>
      %reduce_max3A_431 = arith.xori %select_n3A_426, %reduce_max3A_430 : vector<16xi32>
      %reduce_max3A_432 = tpu.scan <max>, %reduce_max3A_431 masked %reduce_max3A_428 : vector<16xi32>, vector<16xi1> -> vector<16xi32>
      %reduce_max3A_433 = arith.xori %reduce_max3A_432, %reduce_max3A_430 : vector<16xi32>
      %reduce_max3A_434 = vector.extract %reduce_max3A_433[15] : i32 from vector<16xi32>
      %shift_left3A_435 = arith.shli %reduce_max3A_423, %mul3A_260 : i32
      %or3A = arith.ori %scan3A_255, %shift_left3A_435 : i32
      %sub3A_436 = arith.subi %scan3A_256, %reduce_max3A_434 : i32
      scf.yield %or3A, %sub3A_436 : i32, i32
    }
    %scan3A_127 = arith.constant 4 : i32
    %and3A_128 = arith.constant 255 : i32
    %and3A_129 = arith.andi %scan3A_126#0, %and3A_128 : i32
    %broadcast_in_dim3A_130 = vector.broadcast %scan3A_126#0 : i32 to vector<16xi32>
    %xor3A = arith.constant -2147483648 : i32
    %xor3A_131 = vector.broadcast %xor3A : i32 to vector<16xi32>
    %xor3A_132 = arith.xori %broadcast_in_dim3A_130, %xor3A_131 : vector<16xi32>
    %lt3A_133 = arith.constant 8 : i32
    %lt3A_134 = vector.broadcast %lt3A_133 : i32 to vector<16xi32>
    %lt3A_135 = arith.cmpi slt, %iota3A, %lt3A_134 : vector<16xi32>
    %jit3A_136 = arith.constant 0 : i32
    %broadcast_in_dim3A_137 = vector.broadcast %jit3A_136 : i32 to vector<16xi32>
    %select_n3A_138 = arith.select %lt3A_135, %iota3A, %broadcast_in_dim3A_137 : vector<16xi1>, vector<16xi32>
    %mul3A_139 = arith.constant 272 : i32
    %mul3A_140 = vector.broadcast %mul3A_139 : i32 to vector<16xi32>
    %mul3A_141 = arith.muli %select_n3A_138, %mul3A_140 : vector<16xi32>
    %broadcast_in_dim3A_142 = vector.broadcast %and3A_129 : i32 to vector<16xi32>
    %add3A_143 = arith.addi %mul3A_141, %broadcast_in_dim3A_142 : vector<16xi32>
    %lt3A_144 = arith.constant 8 : i32
    %lt3A_145 = vector.broadcast %lt3A_144 : i32 to vector<16xi32>
    %lt3A_146 = arith.cmpi slt, %iota3A, %lt3A_145 : vector<16xi32>
    %gather3A = tpu.vector_load_idx %arg15[%add3A_143] masked %lt3A_146 : memref<2176xi32, #tpu.memory_space<vmem>>[vector<16xi32>], vector<16xi32>, vector<16xi1>
    %broadcast_in_dim3A_147 = vector.broadcast %select_n3A_28 : i32 to vector<16xi32>
    %eq3A_148 = arith.cmpi eq, %iota3A, %broadcast_in_dim3A_147 : vector<16xi32>
    %jit3A_149 = arith.constant 0 : i32
    %broadcast_in_dim3A_150 = vector.broadcast %jit3A_149 : i32 to vector<16xi32>
    %select_n3A_151 = arith.select %eq3A_148, %gather3A, %broadcast_in_dim3A_150 : vector<16xi1>, vector<16xi32>
    %reduce_sum3A = arith.constant true
    %reduce_sum3A_152 = vector.broadcast %reduce_sum3A : i1 to vector<16xi1>
    %reduce_sum3A_153 = tpu.scan <sum>, %select_n3A_151 masked %reduce_sum3A_152 : vector<16xi32>, vector<16xi1> -> vector<16xi32>
    %reduce_sum3A_154 = vector.extract %reduce_sum3A_153[15] : i32 from vector<16xi32>
    %lt3A_155 = arith.cmpi slt, %iota3A, %broadcast_in_dim3A_147 : vector<16xi32>
    %lt3A_156 = arith.constant 8 : i32
    %lt3A_157 = vector.broadcast %lt3A_156 : i32 to vector<16xi32>
    %lt3A_158 = arith.cmpi slt, %iota3A, %lt3A_157 : vector<16xi32>
    %and3A_159 = arith.andi %lt3A_155, %lt3A_158 : vector<16xi1>
    %jit3A_160 = arith.constant 0 : i32
    %broadcast_in_dim3A_161 = vector.broadcast %jit3A_160 : i32 to vector<16xi32>
    %select_n3A_162 = arith.select %and3A_159, %gather3A, %broadcast_in_dim3A_161 : vector<16xi1>, vector<16xi32>
    %reduce_sum3A_163 = arith.constant true
    %reduce_sum3A_164 = vector.broadcast %reduce_sum3A_163 : i1 to vector<16xi1>
    %reduce_sum3A_165 = tpu.scan <sum>, %select_n3A_162 masked %reduce_sum3A_164 : vector<16xi32>, vector<16xi1> -> vector<16xi32>
    %reduce_sum3A_166 = vector.extract %reduce_sum3A_165[15] : i32 from vector<16xi32>
    %sub3A_167 = arith.subi %scan3A_126#1, %reduce_sum3A_166 : i32
    %min3A = arith.minsi %sub3A_167, %reduce_sum3A_154 : i32
    %max3A = arith.constant 0 : i32
    %max3A_168 = arith.maxsi %max3A, %min3A : i32
    %broadcast_in_dim3A_169 = arith.constant 0.000000e+00 : f32
    %broadcast_in_dim3A_170 = vector.broadcast %broadcast_in_dim3A_169 : f32 to vector<16xf32>
    %scan3A_171 = arith.constant 0 : i32
    %scan3A_172 = arith.constant 8 : i32
    %scan3A_173 = arith.addi %scan3A_171, %scan3A_172 : i32
    %scan3A_174 = arith.constant 1 : i32
    %scan3A_175 = scf.for %scan3A_254 = %scan3A_171 to %scan3A_173 step %scan3A_174 iter_args(%scan3A_255 = %broadcast_in_dim3A_170) -> (vector<16xf32>)  : i32 {
      %mul3A_256 = arith.constant 64 : i32
      %mul3A_257 = arith.muli %scan3A_254, %mul3A_256 : i32
      %add3A_258 = arith.constant 0 : i32
      %add3A_259 = arith.addi %mul3A_257, %add3A_258 : i32
      %get3A_260 = arith.index_cast %add3A_259 : i32 to index
      %get3A_261 = tpu.vector_load %arg13[%get3A_260] {strides = array<i32>} : memref<512xi32, #tpu.memory_space<vmem>>, vector<16xi32>,
      %xor3A_262 = arith.constant -2147483648 : i32
      %xor3A_263 = vector.broadcast %xor3A_262 : i32 to vector<16xi32>
      %xor3A_264 = arith.xori %get3A_261, %xor3A_263 : vector<16xi32>
      %gt3A = arith.cmpi sgt, %xor3A_264, %xor3A_132 : vector<16xi32>
      %get3A_265 = arith.index_cast %add3A_259 : i32 to index
      %get3A_266 = tpu.vector_load %arg12[%get3A_265] {strides = array<i32>} : memref<512xf32, #tpu.memory_space<vmem>>, vector<16xf32>,
      %jit3A_267 = arith.constant 0.000000e+00 : f32
      %broadcast_in_dim3A_268 = vector.broadcast %jit3A_267 : f32 to vector<16xf32>
      %select_n3A_269 = arith.select %gt3A, %get3A_266, %broadcast_in_dim3A_268 : vector<16xi1>, vector<16xf32>
      %add3A_270 = arith.addf %scan3A_255, %select_n3A_269 : vector<16xf32>
      %mul3A_271 = arith.constant 64 : i32
      %mul3A_272 = arith.muli %scan3A_254, %mul3A_271 : i32
      %add3A_273 = arith.constant 16 : i32
      %add3A_274 = arith.addi %mul3A_272, %add3A_273 : i32
      %get3A_275 = arith.index_cast %add3A_274 : i32 to index
      %get3A_276 = tpu.vector_load %arg13[%get3A_275] {strides = array<i32>} : memref<512xi32, #tpu.memory_space<vmem>>, vector<16xi32>,
      %xor3A_277 = arith.constant -2147483648 : i32
      %xor3A_278 = vector.broadcast %xor3A_277 : i32 to vector<16xi32>
      %xor3A_279 = arith.xori %get3A_276, %xor3A_278 : vector<16xi32>
      %gt3A_280 = arith.cmpi sgt, %xor3A_279, %xor3A_132 : vector<16xi32>
      %get3A_281 = arith.index_cast %add3A_274 : i32 to index
      %get3A_282 = tpu.vector_load %arg12[%get3A_281] {strides = array<i32>} : memref<512xf32, #tpu.memory_space<vmem>>, vector<16xf32>,
      %jit3A_283 = arith.constant 0.000000e+00 : f32
      %broadcast_in_dim3A_284 = vector.broadcast %jit3A_283 : f32 to vector<16xf32>
      %select_n3A_285 = arith.select %gt3A_280, %get3A_282, %broadcast_in_dim3A_284 : vector<16xi1>, vector<16xf32>
      %add3A_286 = arith.addf %add3A_270, %select_n3A_285 : vector<16xf32>
      %mul3A_287 = arith.constant 64 : i32
      %mul3A_288 = arith.muli %scan3A_254, %mul3A_287 : i32
      %add3A_289 = arith.constant 32 : i32
      %add3A_290 = arith.addi %mul3A_288, %add3A_289 : i32
      %get3A_291 = arith.index_cast %add3A_290 : i32 to index
      %get3A_292 = tpu.vector_load %arg13[%get3A_291] {strides = array<i32>} : memref<512xi32, #tpu.memory_space<vmem>>, vector<16xi32>,
      %xor3A_293 = arith.constant -2147483648 : i32
      %xor3A_294 = vector.broadcast %xor3A_293 : i32 to vector<16xi32>
      %xor3A_295 = arith.xori %get3A_292, %xor3A_294 : vector<16xi32>
      %gt3A_296 = arith.cmpi sgt, %xor3A_295, %xor3A_132 : vector<16xi32>
      %get3A_297 = arith.index_cast %add3A_290 : i32 to index
      %get3A_298 = tpu.vector_load %arg12[%get3A_297] {strides = array<i32>} : memref<512xf32, #tpu.memory_space<vmem>>, vector<16xf32>,
      %jit3A_299 = arith.constant 0.000000e+00 : f32
      %broadcast_in_dim3A_300 = vector.broadcast %jit3A_299 : f32 to vector<16xf32>
      %select_n3A_301 = arith.select %gt3A_296, %get3A_298, %broadcast_in_dim3A_300 : vector<16xi1>, vector<16xf32>
      %add3A_302 = arith.addf %add3A_286, %select_n3A_301 : vector<16xf32>
      %mul3A_303 = arith.constant 64 : i32
      %mul3A_304 = arith.muli %scan3A_254, %mul3A_303 : i32
      %add3A_305 = arith.constant 48 : i32
      %add3A_306 = arith.addi %mul3A_304, %add3A_305 : i32
      %get3A_307 = arith.index_cast %add3A_306 : i32 to index
      %get3A_308 = tpu.vector_load %arg13[%get3A_307] {strides = array<i32>} : memref<512xi32, #tpu.memory_space<vmem>>, vector<16xi32>,
      %xor3A_309 = arith.constant -2147483648 : i32
      %xor3A_310 = vector.broadcast %xor3A_309 : i32 to vector<16xi32>
      %xor3A_311 = arith.xori %get3A_308, %xor3A_310 : vector<16xi32>
      %gt3A_312 = arith.cmpi sgt, %xor3A_311, %xor3A_132 : vector<16xi32>
      %get3A_313 = arith.index_cast %add3A_306 : i32 to index
      %get3A_314 = tpu.vector_load %arg12[%get3A_313] {strides = array<i32>} : memref<512xf32, #tpu.memory_space<vmem>>, vector<16xf32>,
      %jit3A_315 = arith.constant 0.000000e+00 : f32
      %broadcast_in_dim3A_316 = vector.broadcast %jit3A_315 : f32 to vector<16xf32>
      %select_n3A_317 = arith.select %gt3A_312, %get3A_314, %broadcast_in_dim3A_316 : vector<16xi1>, vector<16xf32>
      %add3A_318 = arith.addf %add3A_302, %select_n3A_317 : vector<16xf32>
      scf.yield %add3A_318 : vector<16xf32>
    }
    %scan3A_176 = arith.constant 8 : i32
    %reduce_sum3A_177 = arith.constant true
    %reduce_sum3A_178 = vector.broadcast %reduce_sum3A_177 : i1 to vector<16xi1>
    %reduce_sum3A_179 = tpu.scan <sum>, %scan3A_175 masked %reduce_sum3A_178 : vector<16xf32>, vector<16xi1> -> vector<16xf32>
    %reduce_sum3A_180 = vector.extract %reduce_sum3A_179[15] : f32 from vector<16xf32>
    %eq3A_181 = arith.cmpi eq, %iota3A, %broadcast_in_dim3A_147 : vector<16xi32>
    %broadcast_in_dim3A_182 = vector.broadcast %reduce_sum3A_180 : f32 to vector<16xf32>
    %jit3A_183 = arith.constant 0.000000e+00 : f32
    %broadcast_in_dim3A_184 = vector.broadcast %jit3A_183 : f32 to vector<16xf32>
    %select_n3A_185 = arith.select %eq3A_181, %broadcast_in_dim3A_182, %broadcast_in_dim3A_184 : vector<16xi1>, vector<16xf32>
    %swap3A_186 = arith.constant 0 : index
    %swap3A_187 = tpu.vector_load %arg16[%swap3A_186] {strides = array<i32>} : memref<16xf32, #tpu.memory_space<vmem>>, vector<16xf32>,
    tpu.vector_store %arg16[%swap3A_186], %select_n3A_185 {strides = array<i32>} : memref<16xf32, #tpu.memory_space<vmem>>, vector<16xf32>,
    %mul3A_188 = arith.constant 8 : i32
    %mul3A_189 = arith.muli %select_n3A, %mul3A_188 : i32
    %add3A_190 = arith.addi %mul3A_189, %select_n3A_28 : i32
    %mul3A_191 = arith.constant 16 : i32
    %mul3A_192 = arith.muli %add3A_190, %mul3A_191 : i32
    "tpu.region"() ({
      %run_scoped3A = tpu.sem_alloc : memref<!tpu.dma_semaphore, #tpu.memory_space<semaphore_mem>>
      %dma_start3A = tpu.memref_slice %arg22[%mul3A_192] : memref<256xf32, #tpu.memory_space<vmem_shared>> -> memref<16xf32, #tpu.memory_space<vmem_shared>>
      %dma_start3A_254 = tpu.memref_slice %arg22[%mul3A_192] : memref<256xf32, #tpu.memory_space<vmem_shared>> -> memref<16xf32, #tpu.memory_space<vmem_shared>>
      tpu.enqueue_dma source(%arg16 : memref<16xf32, #tpu.memory_space<vmem>>) target(%dma_start3A_254 : memref<16xf32, #tpu.memory_space<vmem_shared>>) target_semaphore(%run_scoped3A : memref<!tpu.dma_semaphore, #tpu.memory_space<semaphore_mem>>)
      %dma_wait3A = tpu.memref_slice %arg22[%mul3A_192] : memref<256xf32, #tpu.memory_space<vmem_shared>> -> memref<16xf32, #tpu.memory_space<vmem_shared>>
      %dma_wait3A_255 = tpu.memref_slice %arg22[%mul3A_192] : memref<256xf32, #tpu.memory_space<vmem_shared>> -> memref<16xf32, #tpu.memory_space<vmem_shared>>
      tpu.wait_dma2 semaphore(%run_scoped3A : memref<!tpu.dma_semaphore, #tpu.memory_space<semaphore_mem>>) src(%arg16 : memref<16xf32, #tpu.memory_space<vmem>>) dst(%dma_wait3A_255 : memref<16xf32, #tpu.memory_space<vmem_shared>>)
      tpu.yield
    }) : () -> ()
    %barrier3A = arith.constant 0 : index
    tpu.barrier barrier_id(%barrier3A)
    %mul3A_193 = arith.constant 128 : i32
    %mul3A_194 = arith.muli %select_n3A, %mul3A_193 : i32
    "tpu.region"() ({
      %run_scoped3A = tpu.sem_alloc : memref<!tpu.dma_semaphore, #tpu.memory_space<semaphore_mem>>
      %dma_start3A = tpu.memref_slice %arg22[%mul3A_194] : memref<256xf32, #tpu.memory_space<vmem_shared>> -> memref<128xf32, #tpu.memory_space<vmem_shared>>
      %dma_start3A_254 = tpu.memref_slice %arg22[%mul3A_194] : memref<256xf32, #tpu.memory_space<vmem_shared>> -> memref<128xf32, #tpu.memory_space<vmem_shared>>
      tpu.enqueue_dma source(%dma_start3A_254 : memref<128xf32, #tpu.memory_space<vmem_shared>>) target(%arg17 : memref<128xf32, #tpu.memory_space<vmem>>) target_semaphore(%run_scoped3A : memref<!tpu.dma_semaphore, #tpu.memory_space<semaphore_mem>>)
      %dma_wait3A = tpu.memref_slice %arg22[%mul3A_194] : memref<256xf32, #tpu.memory_space<vmem_shared>> -> memref<128xf32, #tpu.memory_space<vmem_shared>>
      %dma_wait3A_255 = tpu.memref_slice %arg22[%mul3A_194] : memref<256xf32, #tpu.memory_space<vmem_shared>> -> memref<128xf32, #tpu.memory_space<vmem_shared>>
      tpu.wait_dma2 semaphore(%run_scoped3A : memref<!tpu.dma_semaphore, #tpu.memory_space<semaphore_mem>>) src(%dma_wait3A_255 : memref<128xf32, #tpu.memory_space<vmem_shared>>) dst(%arg17 : memref<128xf32, #tpu.memory_space<vmem>>)
      tpu.yield
    }) : () -> ()
    %get3A_195 = arith.constant 0 : index
    %get3A_196 = tpu.vector_load %arg17[%get3A_195] {strides = array<i32>} : memref<128xf32, #tpu.memory_space<vmem>>, vector<16xf32>,
    %get3A_197 = arith.constant 16 : index
    %get3A_198 = tpu.vector_load %arg17[%get3A_197] {strides = array<i32>} : memref<128xf32, #tpu.memory_space<vmem>>, vector<16xf32>,
    %add3A_199 = arith.addf %get3A_196, %get3A_198 : vector<16xf32>
    %get3A_200 = arith.constant 32 : index
    %get3A_201 = tpu.vector_load %arg17[%get3A_200] {strides = array<i32>} : memref<128xf32, #tpu.memory_space<vmem>>, vector<16xf32>,
    %add3A_202 = arith.addf %add3A_199, %get3A_201 : vector<16xf32>
    %get3A_203 = arith.constant 48 : index
    %get3A_204 = tpu.vector_load %arg17[%get3A_203] {strides = array<i32>} : memref<128xf32, #tpu.memory_space<vmem>>, vector<16xf32>,
    %add3A_205 = arith.addf %add3A_202, %get3A_204 : vector<16xf32>
    %get3A_206 = arith.constant 64 : index
    %get3A_207 = tpu.vector_load %arg17[%get3A_206] {strides = array<i32>} : memref<128xf32, #tpu.memory_space<vmem>>, vector<16xf32>,
    %add3A_208 = arith.addf %add3A_205, %get3A_207 : vector<16xf32>
    %get3A_209 = arith.constant 80 : index
    %get3A_210 = tpu.vector_load %arg17[%get3A_209] {strides = array<i32>} : memref<128xf32, #tpu.memory_space<vmem>>, vector<16xf32>,
    %add3A_211 = arith.addf %add3A_208, %get3A_210 : vector<16xf32>
    %get3A_212 = arith.constant 96 : index
    %get3A_213 = tpu.vector_load %arg17[%get3A_212] {strides = array<i32>} : memref<128xf32, #tpu.memory_space<vmem>>, vector<16xf32>,
    %add3A_214 = arith.addf %add3A_211, %get3A_213 : vector<16xf32>
    %get3A_215 = arith.constant 112 : index
    %get3A_216 = tpu.vector_load %arg17[%get3A_215] {strides = array<i32>} : memref<128xf32, #tpu.memory_space<vmem>>, vector<16xf32>,
    %add3A_217 = arith.addf %add3A_214, %get3A_216 : vector<16xf32>
    %lt3A_218 = arith.constant 8 : i32
    %lt3A_219 = vector.broadcast %lt3A_218 : i32 to vector<16xi32>
    %lt3A_220 = arith.cmpi slt, %iota3A, %lt3A_219 : vector<16xi32>
    %jit3A_221 = arith.constant 0.000000e+00 : f32
    %broadcast_in_dim3A_222 = vector.broadcast %jit3A_221 : f32 to vector<16xf32>
    %select_n3A_223 = arith.select %lt3A_220, %add3A_217, %broadcast_in_dim3A_222 : vector<16xi1>, vector<16xf32>
    %reduce_sum3A_224 = arith.constant true
    %reduce_sum3A_225 = vector.broadcast %reduce_sum3A_224 : i1 to vector<16xi1>
    %reduce_sum3A_226 = tpu.scan <sum>, %select_n3A_223 masked %reduce_sum3A_225 : vector<16xf32>, vector<16xi1> -> vector<16xf32>
    %reduce_sum3A_227 = vector.extract %reduce_sum3A_226[15] : f32 from vector<16xf32>
    %xor3A_228 = arith.constant -2147483648 : i32
    %xor3A_229 = arith.xori %scan3A_126#0, %xor3A_228 : i32
    %ge3A = arith.constant 0 : i32
    %ge3A_230 = arith.cmpi sge, %xor3A_229, %ge3A : i32
    %xor3A_231 = arith.constant 2147483647 : i32
    %xor3A_232 = arith.xori %xor3A_229, %xor3A_231 : i32
    %select_n3A_233 = arith.select %ge3A_230, %xor3A_229, %xor3A_232 : i32
    %broadcast_in_dim3A_234 = vector.broadcast %select_n3A_233 : i32 to vector<16xi32>
    %bitcast3A = vector.bitcast %broadcast_in_dim3A_234 : vector<16xi32> to vector<16xf32>
    %broadcast_in_dim3A_235 = vector.broadcast %reduce_sum3A_227 : f32 to vector<16xf32>
    %convert_element_type3A = arith.sitofp %scan3A_126#1 : i32 to f32
    %mul3A_236 = vector.broadcast %convert_element_type3A : f32 to vector<16xf32>
    %mul3A_237 = arith.mulf %mul3A_236, %bitcast3A : vector<16xf32>
    %add3A_238 = arith.addf %broadcast_in_dim3A_235, %mul3A_237 : vector<16xf32>
    %mul3A_239 = arith.constant 1.562500e-02 : f32
    %mul3A_240 = vector.broadcast %mul3A_239 : f32 to vector<16xf32>
    %mul3A_241 = arith.mulf %add3A_238, %mul3A_240 : vector<16xf32>
    %broadcast_in_dim3A_242 = vector.broadcast %max3A_168 : i32 to vector<16xi32>
    %scan3A_243 = arith.constant 0 : i32
    %scan3A_244 = arith.constant 0 : i32
    %scan3A_245 = arith.constant 8 : i32
    %scan3A_246 = arith.addi %scan3A_244, %scan3A_245 : i32
    %scan3A_247 = arith.constant 1 : i32
    %scan3A_248 = scf.for %scan3A_254 = %scan3A_244 to %scan3A_246 step %scan3A_247 iter_args(%scan3A_255 = %scan3A_243) -> (i32)  : i32 {
      %mul3A_256 = arith.constant 64 : i32
      %mul3A_257 = arith.muli %scan3A_254, %mul3A_256 : i32
      %add3A_258 = arith.constant 0 : i32
      %add3A_259 = arith.addi %mul3A_257, %add3A_258 : i32
      %get3A_260 = arith.index_cast %add3A_259 : i32 to index
      %get3A_261 = tpu.vector_load %arg13[%get3A_260] {strides = array<i32>} : memref<512xi32, #tpu.memory_space<vmem>>, vector<16xi32>,
      %get3A_262 = arith.index_cast %add3A_259 : i32 to index
      %get3A_263 = tpu.vector_load %arg12[%get3A_262] {strides = array<i32>} : memref<512xf32, #tpu.memory_space<vmem>>, vector<16xf32>,
      %xor3A_264 = arith.constant -2147483648 : i32
      %xor3A_265 = vector.broadcast %xor3A_264 : i32 to vector<16xi32>
      %xor3A_266 = arith.xori %get3A_261, %xor3A_265 : vector<16xi32>
      %eq3A_267 = arith.cmpi eq, %get3A_261, %broadcast_in_dim3A_130 : vector<16xi32>
      %jit3A_268 = arith.constant 1 : i32
      %jit3A_269 = arith.constant 0 : i32
      %broadcast_in_dim3A_270 = vector.broadcast %jit3A_268 : i32 to vector<16xi32>
      %broadcast_in_dim3A_271 = vector.broadcast %jit3A_269 : i32 to vector<16xi32>
      %select_n3A_272 = arith.select %eq3A_267, %broadcast_in_dim3A_270, %broadcast_in_dim3A_271 : vector<16xi1>, vector<16xi32>
      %broadcast_in_dim3A_273 = arith.constant true
      %broadcast_in_dim3A_274 = vector.broadcast %broadcast_in_dim3A_273 : i1 to vector<16xi1>
      %masked_cumsum3A = tpu.scan <sum>, %select_n3A_272 masked %broadcast_in_dim3A_274 : vector<16xi32>, vector<16xi1> -> vector<16xi32>
      %sub3A_275 = arith.subi %masked_cumsum3A, %select_n3A_272 : vector<16xi32>
      %broadcast_in_dim3A_276 = vector.broadcast %scan3A_255 : i32 to vector<16xi32>
      %add3A_277 = arith.addi %sub3A_275, %broadcast_in_dim3A_276 : vector<16xi32>
      %gt3A = arith.cmpi sgt, %xor3A_266, %xor3A_132 : vector<16xi32>
      %lt3A_278 = arith.cmpi slt, %add3A_277, %broadcast_in_dim3A_242 : vector<16xi32>
      %and3A_279 = arith.andi %eq3A_267, %lt3A_278 : vector<16xi1>
      %or3A = arith.ori %gt3A, %and3A_279 : vector<16xi1>
      %jit3A_280 = arith.constant 0.000000e+00 : f32
      %broadcast_in_dim3A_281 = vector.broadcast %jit3A_280 : f32 to vector<16xf32>
      %select_n3A_282 = arith.select %or3A, %get3A_263, %broadcast_in_dim3A_281 : vector<16xi1>, vector<16xf32>
      %swap3A_283 = arith.index_cast %add3A_259 : i32 to index
      %swap3A_284 = tpu.vector_load %arg18[%swap3A_283] {strides = array<i32>} : memref<512xf32, #tpu.memory_space<vmem>>, vector<16xf32>,
      tpu.vector_store %arg18[%swap3A_283], %select_n3A_282 {strides = array<i32>} : memref<512xf32, #tpu.memory_space<vmem>>, vector<16xf32>,
      %add3A_285 = arith.constant 1.000000e+00 : f32
      %add3A_286 = vector.broadcast %add3A_285 : f32 to vector<16xf32>
      %add3A_287 = arith.addf %add3A_286, %select_n3A_282 : vector<16xf32>
      %mul3A_288 = arith.mulf %mul3A_241, %add3A_287 : vector<16xf32>
      %swap3A_289 = arith.index_cast %add3A_259 : i32 to index
      %swap3A_290 = tpu.vector_load %arg19[%swap3A_289] {strides = array<i32>} : memref<512xf32, #tpu.memory_space<vmem>>, vector<16xf32>,
      tpu.vector_store %arg19[%swap3A_289], %mul3A_288 {strides = array<i32>} : memref<512xf32, #tpu.memory_space<vmem>>, vector<16xf32>,
      %slice3A_291 = vector.extract_strided_slice %masked_cumsum3A {offsets = [15], sizes = [1], strides = [1]} : vector<16xi32> to vector<1xi32>
      %squeeze3A_292 = vector.extract %slice3A_291[0] : i32 from vector<1xi32>
      %add3A_293 = arith.addi %scan3A_255, %squeeze3A_292 : i32
      %mul3A_294 = arith.constant 64 : i32
      %mul3A_295 = arith.muli %scan3A_254, %mul3A_294 : i32
      %add3A_296 = arith.constant 16 : i32
      %add3A_297 = arith.addi %mul3A_295, %add3A_296 : i32
      %get3A_298 = arith.index_cast %add3A_297 : i32 to index
      %get3A_299 = tpu.vector_load %arg13[%get3A_298] {strides = array<i32>} : memref<512xi32, #tpu.memory_space<vmem>>, vector<16xi32>,
      %get3A_300 = arith.index_cast %add3A_297 : i32 to index
      %get3A_301 = tpu.vector_load %arg12[%get3A_300] {strides = array<i32>} : memref<512xf32, #tpu.memory_space<vmem>>, vector<16xf32>,
      %xor3A_302 = arith.constant -2147483648 : i32
      %xor3A_303 = vector.broadcast %xor3A_302 : i32 to vector<16xi32>
      %xor3A_304 = arith.xori %get3A_299, %xor3A_303 : vector<16xi32>
      %eq3A_305 = arith.cmpi eq, %get3A_299, %broadcast_in_dim3A_130 : vector<16xi32>
      %jit3A_306 = arith.constant 1 : i32
      %jit3A_307 = arith.constant 0 : i32
      %broadcast_in_dim3A_308 = vector.broadcast %jit3A_306 : i32 to vector<16xi32>
      %broadcast_in_dim3A_309 = vector.broadcast %jit3A_307 : i32 to vector<16xi32>
      %select_n3A_310 = arith.select %eq3A_305, %broadcast_in_dim3A_308, %broadcast_in_dim3A_309 : vector<16xi1>, vector<16xi32>
      %broadcast_in_dim3A_311 = arith.constant true
      %broadcast_in_dim3A_312 = vector.broadcast %broadcast_in_dim3A_311 : i1 to vector<16xi1>
      %masked_cumsum3A_313 = tpu.scan <sum>, %select_n3A_310 masked %broadcast_in_dim3A_312 : vector<16xi32>, vector<16xi1> -> vector<16xi32>
      %sub3A_314 = arith.subi %masked_cumsum3A_313, %select_n3A_310 : vector<16xi32>
      %broadcast_in_dim3A_315 = vector.broadcast %add3A_293 : i32 to vector<16xi32>
      %add3A_316 = arith.addi %sub3A_314, %broadcast_in_dim3A_315 : vector<16xi32>
      %gt3A_317 = arith.cmpi sgt, %xor3A_304, %xor3A_132 : vector<16xi32>
      %lt3A_318 = arith.cmpi slt, %add3A_316, %broadcast_in_dim3A_242 : vector<16xi32>
      %and3A_319 = arith.andi %eq3A_305, %lt3A_318 : vector<16xi1>
      %or3A_320 = arith.ori %gt3A_317, %and3A_319 : vector<16xi1>
      %jit3A_321 = arith.constant 0.000000e+00 : f32
      %broadcast_in_dim3A_322 = vector.broadcast %jit3A_321 : f32 to vector<16xf32>
      %select_n3A_323 = arith.select %or3A_320, %get3A_301, %broadcast_in_dim3A_322 : vector<16xi1>, vector<16xf32>
      %swap3A_324 = arith.index_cast %add3A_297 : i32 to index
      %swap3A_325 = tpu.vector_load %arg18[%swap3A_324] {strides = array<i32>} : memref<512xf32, #tpu.memory_space<vmem>>, vector<16xf32>,
      tpu.vector_store %arg18[%swap3A_324], %select_n3A_323 {strides = array<i32>} : memref<512xf32, #tpu.memory_space<vmem>>, vector<16xf32>,
      %add3A_326 = arith.constant 1.000000e+00 : f32
      %add3A_327 = vector.broadcast %add3A_326 : f32 to vector<16xf32>
      %add3A_328 = arith.addf %add3A_327, %select_n3A_323 : vector<16xf32>
      %mul3A_329 = arith.mulf %mul3A_241, %add3A_328 : vector<16xf32>
      %swap3A_330 = arith.index_cast %add3A_297 : i32 to index
      %swap3A_331 = tpu.vector_load %arg19[%swap3A_330] {strides = array<i32>} : memref<512xf32, #tpu.memory_space<vmem>>, vector<16xf32>,
      tpu.vector_store %arg19[%swap3A_330], %mul3A_329 {strides = array<i32>} : memref<512xf32, #tpu.memory_space<vmem>>, vector<16xf32>,
      %slice3A_332 = vector.extract_strided_slice %masked_cumsum3A_313 {offsets = [15], sizes = [1], strides = [1]} : vector<16xi32> to vector<1xi32>
      %squeeze3A_333 = vector.extract %slice3A_332[0] : i32 from vector<1xi32>
      %add3A_334 = arith.addi %add3A_293, %squeeze3A_333 : i32
      %mul3A_335 = arith.constant 64 : i32
      %mul3A_336 = arith.muli %scan3A_254, %mul3A_335 : i32
      %add3A_337 = arith.constant 32 : i32
      %add3A_338 = arith.addi %mul3A_336, %add3A_337 : i32
      %get3A_339 = arith.index_cast %add3A_338 : i32 to index
      %get3A_340 = tpu.vector_load %arg13[%get3A_339] {strides = array<i32>} : memref<512xi32, #tpu.memory_space<vmem>>, vector<16xi32>,
      %get3A_341 = arith.index_cast %add3A_338 : i32 to index
      %get3A_342 = tpu.vector_load %arg12[%get3A_341] {strides = array<i32>} : memref<512xf32, #tpu.memory_space<vmem>>, vector<16xf32>,
      %xor3A_343 = arith.constant -2147483648 : i32
      %xor3A_344 = vector.broadcast %xor3A_343 : i32 to vector<16xi32>
      %xor3A_345 = arith.xori %get3A_340, %xor3A_344 : vector<16xi32>
      %eq3A_346 = arith.cmpi eq, %get3A_340, %broadcast_in_dim3A_130 : vector<16xi32>
      %jit3A_347 = arith.constant 1 : i32
      %jit3A_348 = arith.constant 0 : i32
      %broadcast_in_dim3A_349 = vector.broadcast %jit3A_347 : i32 to vector<16xi32>
      %broadcast_in_dim3A_350 = vector.broadcast %jit3A_348 : i32 to vector<16xi32>
      %select_n3A_351 = arith.select %eq3A_346, %broadcast_in_dim3A_349, %broadcast_in_dim3A_350 : vector<16xi1>, vector<16xi32>
      %broadcast_in_dim3A_352 = arith.constant true
      %broadcast_in_dim3A_353 = vector.broadcast %broadcast_in_dim3A_352 : i1 to vector<16xi1>
      %masked_cumsum3A_354 = tpu.scan <sum>, %select_n3A_351 masked %broadcast_in_dim3A_353 : vector<16xi32>, vector<16xi1> -> vector<16xi32>
      %sub3A_355 = arith.subi %masked_cumsum3A_354, %select_n3A_351 : vector<16xi32>
      %broadcast_in_dim3A_356 = vector.broadcast %add3A_334 : i32 to vector<16xi32>
      %add3A_357 = arith.addi %sub3A_355, %broadcast_in_dim3A_356 : vector<16xi32>
      %gt3A_358 = arith.cmpi sgt, %xor3A_345, %xor3A_132 : vector<16xi32>
      %lt3A_359 = arith.cmpi slt, %add3A_357, %broadcast_in_dim3A_242 : vector<16xi32>
      %and3A_360 = arith.andi %eq3A_346, %lt3A_359 : vector<16xi1>
      %or3A_361 = arith.ori %gt3A_358, %and3A_360 : vector<16xi1>
      %jit3A_362 = arith.constant 0.000000e+00 : f32
      %broadcast_in_dim3A_363 = vector.broadcast %jit3A_362 : f32 to vector<16xf32>
      %select_n3A_364 = arith.select %or3A_361, %get3A_342, %broadcast_in_dim3A_363 : vector<16xi1>, vector<16xf32>
      %swap3A_365 = arith.index_cast %add3A_338 : i32 to index
      %swap3A_366 = tpu.vector_load %arg18[%swap3A_365] {strides = array<i32>} : memref<512xf32, #tpu.memory_space<vmem>>, vector<16xf32>,
      tpu.vector_store %arg18[%swap3A_365], %select_n3A_364 {strides = array<i32>} : memref<512xf32, #tpu.memory_space<vmem>>, vector<16xf32>,
      %add3A_367 = arith.constant 1.000000e+00 : f32
      %add3A_368 = vector.broadcast %add3A_367 : f32 to vector<16xf32>
      %add3A_369 = arith.addf %add3A_368, %select_n3A_364 : vector<16xf32>
      %mul3A_370 = arith.mulf %mul3A_241, %add3A_369 : vector<16xf32>
      %swap3A_371 = arith.index_cast %add3A_338 : i32 to index
      %swap3A_372 = tpu.vector_load %arg19[%swap3A_371] {strides = array<i32>} : memref<512xf32, #tpu.memory_space<vmem>>, vector<16xf32>,
      tpu.vector_store %arg19[%swap3A_371], %mul3A_370 {strides = array<i32>} : memref<512xf32, #tpu.memory_space<vmem>>, vector<16xf32>,
      %slice3A_373 = vector.extract_strided_slice %masked_cumsum3A_354 {offsets = [15], sizes = [1], strides = [1]} : vector<16xi32> to vector<1xi32>
      %squeeze3A_374 = vector.extract %slice3A_373[0] : i32 from vector<1xi32>
      %add3A_375 = arith.addi %add3A_334, %squeeze3A_374 : i32
      %mul3A_376 = arith.constant 64 : i32
      %mul3A_377 = arith.muli %scan3A_254, %mul3A_376 : i32
      %add3A_378 = arith.constant 48 : i32
      %add3A_379 = arith.addi %mul3A_377, %add3A_378 : i32
      %get3A_380 = arith.index_cast %add3A_379 : i32 to index
      %get3A_381 = tpu.vector_load %arg13[%get3A_380] {strides = array<i32>} : memref<512xi32, #tpu.memory_space<vmem>>, vector<16xi32>,
      %get3A_382 = arith.index_cast %add3A_379 : i32 to index
      %get3A_383 = tpu.vector_load %arg12[%get3A_382] {strides = array<i32>} : memref<512xf32, #tpu.memory_space<vmem>>, vector<16xf32>,
      %xor3A_384 = arith.constant -2147483648 : i32
      %xor3A_385 = vector.broadcast %xor3A_384 : i32 to vector<16xi32>
      %xor3A_386 = arith.xori %get3A_381, %xor3A_385 : vector<16xi32>
      %eq3A_387 = arith.cmpi eq, %get3A_381, %broadcast_in_dim3A_130 : vector<16xi32>
      %jit3A_388 = arith.constant 1 : i32
      %jit3A_389 = arith.constant 0 : i32
      %broadcast_in_dim3A_390 = vector.broadcast %jit3A_388 : i32 to vector<16xi32>
      %broadcast_in_dim3A_391 = vector.broadcast %jit3A_389 : i32 to vector<16xi32>
      %select_n3A_392 = arith.select %eq3A_387, %broadcast_in_dim3A_390, %broadcast_in_dim3A_391 : vector<16xi1>, vector<16xi32>
      %broadcast_in_dim3A_393 = arith.constant true
      %broadcast_in_dim3A_394 = vector.broadcast %broadcast_in_dim3A_393 : i1 to vector<16xi1>
      %masked_cumsum3A_395 = tpu.scan <sum>, %select_n3A_392 masked %broadcast_in_dim3A_394 : vector<16xi32>, vector<16xi1> -> vector<16xi32>
      %sub3A_396 = arith.subi %masked_cumsum3A_395, %select_n3A_392 : vector<16xi32>
      %broadcast_in_dim3A_397 = vector.broadcast %add3A_375 : i32 to vector<16xi32>
      %add3A_398 = arith.addi %sub3A_396, %broadcast_in_dim3A_397 : vector<16xi32>
      %gt3A_399 = arith.cmpi sgt, %xor3A_386, %xor3A_132 : vector<16xi32>
      %lt3A_400 = arith.cmpi slt, %add3A_398, %broadcast_in_dim3A_242 : vector<16xi32>
      %and3A_401 = arith.andi %eq3A_387, %lt3A_400 : vector<16xi1>
      %or3A_402 = arith.ori %gt3A_399, %and3A_401 : vector<16xi1>
      %jit3A_403 = arith.constant 0.000000e+00 : f32
      %broadcast_in_dim3A_404 = vector.broadcast %jit3A_403 : f32 to vector<16xf32>
      %select_n3A_405 = arith.select %or3A_402, %get3A_383, %broadcast_in_dim3A_404 : vector<16xi1>, vector<16xf32>
      %swap3A_406 = arith.index_cast %add3A_379 : i32 to index
      %swap3A_407 = tpu.vector_load %arg18[%swap3A_406] {strides = array<i32>} : memref<512xf32, #tpu.memory_space<vmem>>, vector<16xf32>,
      tpu.vector_store %arg18[%swap3A_406], %select_n3A_405 {strides = array<i32>} : memref<512xf32, #tpu.memory_space<vmem>>, vector<16xf32>,
      %add3A_408 = arith.constant 1.000000e+00 : f32
      %add3A_409 = vector.broadcast %add3A_408 : f32 to vector<16xf32>
      %add3A_410 = arith.addf %add3A_409, %select_n3A_405 : vector<16xf32>
      %mul3A_411 = arith.mulf %mul3A_241, %add3A_410 : vector<16xf32>
      %swap3A_412 = arith.index_cast %add3A_379 : i32 to index
      %swap3A_413 = tpu.vector_load %arg19[%swap3A_412] {strides = array<i32>} : memref<512xf32, #tpu.memory_space<vmem>>, vector<16xf32>,
      tpu.vector_store %arg19[%swap3A_412], %mul3A_411 {strides = array<i32>} : memref<512xf32, #tpu.memory_space<vmem>>, vector<16xf32>,
      %slice3A_414 = vector.extract_strided_slice %masked_cumsum3A_395 {offsets = [15], sizes = [1], strides = [1]} : vector<16xi32> to vector<1xi32>
      %squeeze3A_415 = vector.extract %slice3A_414[0] : i32 from vector<1xi32>
      %add3A_416 = arith.addi %add3A_375, %squeeze3A_415 : i32
      scf.yield %add3A_416 : i32
    }
    %scan3A_249 = arith.constant 8 : i32
    "tpu.region"() ({
      %run_scoped3A = tpu.sem_alloc : memref<!tpu.dma_semaphore, #tpu.memory_space<semaphore_mem>>
      %dma_start3A = tpu.memref_slice %arg7[%add3A_30, %mul3A_32] : memref<4x4096xf32, #tpu.memory_space<hbm>> -> memref<1x512xf32, #tpu.memory_space<hbm>>
      %dma_start3A_254 = tpu.memref_squeeze %dma_start3A : memref<1x512xf32, #tpu.memory_space<hbm>> -> memref<512xf32, #tpu.memory_space<hbm>>
      %dma_start3A_255 = tpu.memref_slice %arg7[%add3A_30, %mul3A_32] : memref<4x4096xf32, #tpu.memory_space<hbm>> -> memref<1x512xf32, #tpu.memory_space<hbm>>
      %dma_start3A_256 = tpu.memref_squeeze %dma_start3A_255 : memref<1x512xf32, #tpu.memory_space<hbm>> -> memref<512xf32, #tpu.memory_space<hbm>>
      tpu.enqueue_dma source(%arg18 : memref<512xf32, #tpu.memory_space<vmem>>) target(%dma_start3A_256 : memref<512xf32, #tpu.memory_space<hbm>>) target_semaphore(%run_scoped3A : memref<!tpu.dma_semaphore, #tpu.memory_space<semaphore_mem>>)
      %dma_wait3A = tpu.memref_slice %arg7[%add3A_30, %mul3A_32] : memref<4x4096xf32, #tpu.memory_space<hbm>> -> memref<1x512xf32, #tpu.memory_space<hbm>>
      %dma_wait3A_257 = tpu.memref_squeeze %dma_wait3A : memref<1x512xf32, #tpu.memory_space<hbm>> -> memref<512xf32, #tpu.memory_space<hbm>>
      %dma_wait3A_258 = tpu.memref_slice %arg7[%add3A_30, %mul3A_32] : memref<4x4096xf32, #tpu.memory_space<hbm>> -> memref<1x512xf32, #tpu.memory_space<hbm>>
      %dma_wait3A_259 = tpu.memref_squeeze %dma_wait3A_258 : memref<1x512xf32, #tpu.memory_space<hbm>> -> memref<512xf32, #tpu.memory_space<hbm>>
      tpu.wait_dma2 semaphore(%run_scoped3A : memref<!tpu.dma_semaphore, #tpu.memory_space<semaphore_mem>>) src(%arg18 : memref<512xf32, #tpu.memory_space<vmem>>) dst(%dma_wait3A_259 : memref<512xf32, #tpu.memory_space<hbm>>)
      tpu.yield
    }) : () -> ()
    "tpu.region"() ({
      %run_scoped3A = tpu.sem_alloc : memref<!tpu.dma_semaphore, #tpu.memory_space<semaphore_mem>>
      %dma_start3A = tpu.memref_slice %arg5[%add3A_30, %mul3A_32] : memref<4x4096xf32, #tpu.memory_space<hbm>> -> memref<1x512xf32, #tpu.memory_space<hbm>>
      %dma_start3A_254 = tpu.memref_squeeze %dma_start3A : memref<1x512xf32, #tpu.memory_space<hbm>> -> memref<512xf32, #tpu.memory_space<hbm>>
      %dma_start3A_255 = tpu.memref_slice %arg5[%add3A_30, %mul3A_32] : memref<4x4096xf32, #tpu.memory_space<hbm>> -> memref<1x512xf32, #tpu.memory_space<hbm>>
      %dma_start3A_256 = tpu.memref_squeeze %dma_start3A_255 : memref<1x512xf32, #tpu.memory_space<hbm>> -> memref<512xf32, #tpu.memory_space<hbm>>
      tpu.enqueue_dma source(%arg19 : memref<512xf32, #tpu.memory_space<vmem>>) target(%dma_start3A_256 : memref<512xf32, #tpu.memory_space<hbm>>) target_semaphore(%run_scoped3A : memref<!tpu.dma_semaphore, #tpu.memory_space<semaphore_mem>>)
      %dma_wait3A = tpu.memref_slice %arg5[%add3A_30, %mul3A_32] : memref<4x4096xf32, #tpu.memory_space<hbm>> -> memref<1x512xf32, #tpu.memory_space<hbm>>
      %dma_wait3A_257 = tpu.memref_squeeze %dma_wait3A : memref<1x512xf32, #tpu.memory_space<hbm>> -> memref<512xf32, #tpu.memory_space<hbm>>
      %dma_wait3A_258 = tpu.memref_slice %arg5[%add3A_30, %mul3A_32] : memref<4x4096xf32, #tpu.memory_space<hbm>> -> memref<1x512xf32, #tpu.memory_space<hbm>>
      %dma_wait3A_259 = tpu.memref_squeeze %dma_wait3A_258 : memref<1x512xf32, #tpu.memory_space<hbm>> -> memref<512xf32, #tpu.memory_space<hbm>>
      tpu.wait_dma2 semaphore(%run_scoped3A : memref<!tpu.dma_semaphore, #tpu.memory_space<semaphore_mem>>) src(%arg19 : memref<512xf32, #tpu.memory_space<vmem>>) dst(%dma_wait3A_259 : memref<512xf32, #tpu.memory_space<hbm>>)
      tpu.yield
    }) : () -> ()
    %eq3A_250 = arith.constant 0 : i32
    %eq3A_251 = arith.cmpi eq, %select_n3A_28, %eq3A_250 : i32
    %convert_element_type3A_252 = arith.extui %eq3A_251 : i1 to i32
    %cond3A = arith.constant 0 : i32
    %cond3A_253 = arith.cmpi ne, %convert_element_type3A_252, %cond3A : i32
    scf.if %cond3A_253 {
      %swap3A_254 = arith.constant 0 : index
      %swap3A_255 = tpu.vector_load %arg20[%swap3A_254] {strides = array<i32>} : memref<16xf32, #tpu.memory_space<vmem>>, vector<16xf32>,
      tpu.vector_store %arg20[%swap3A_254], %mul3A_241 {strides = array<i32>} : memref<16xf32, #tpu.memory_space<vmem>>, vector<16xf32>,
      "tpu.region"() ({
        %run_scoped3A = tpu.sem_alloc : memref<!tpu.dma_semaphore, #tpu.memory_space<semaphore_mem>>
        %dma_start3A = arith.constant 0 : i32
        %dma_start3A_256 = tpu.memref_slice %arg6[%add3A_30, %dma_start3A] : memref<4x16xf32, #tpu.memory_space<hbm>> -> memref<1x16xf32, #tpu.memory_space<hbm>>
        %dma_start3A_257 = tpu.memref_squeeze %dma_start3A_256 : memref<1x16xf32, #tpu.memory_space<hbm>> -> memref<16xf32, #tpu.memory_space<hbm>>
        %dma_start3A_258 = arith.constant 0 : i32
        %dma_start3A_259 = tpu.memref_slice %arg6[%add3A_30, %dma_start3A_258] : memref<4x16xf32, #tpu.memory_space<hbm>> -> memref<1x16xf32, #tpu.memory_space<hbm>>
        %dma_start3A_260 = tpu.memref_squeeze %dma_start3A_259 : memref<1x16xf32, #tpu.memory_space<hbm>> -> memref<16xf32, #tpu.memory_space<hbm>>
        tpu.enqueue_dma source(%arg20 : memref<16xf32, #tpu.memory_space<vmem>>) target(%dma_start3A_260 : memref<16xf32, #tpu.memory_space<hbm>>) target_semaphore(%run_scoped3A : memref<!tpu.dma_semaphore, #tpu.memory_space<semaphore_mem>>)
        %dma_wait3A = arith.constant 0 : i32
        %dma_wait3A_261 = tpu.memref_slice %arg6[%add3A_30, %dma_wait3A] : memref<4x16xf32, #tpu.memory_space<hbm>> -> memref<1x16xf32, #tpu.memory_space<hbm>>
        %dma_wait3A_262 = tpu.memref_squeeze %dma_wait3A_261 : memref<1x16xf32, #tpu.memory_space<hbm>> -> memref<16xf32, #tpu.memory_space<hbm>>
        %dma_wait3A_263 = arith.constant 0 : i32
        %dma_wait3A_264 = tpu.memref_slice %arg6[%add3A_30, %dma_wait3A_263] : memref<4x16xf32, #tpu.memory_space<hbm>> -> memref<1x16xf32, #tpu.memory_space<hbm>>
        %dma_wait3A_265 = tpu.memref_squeeze %dma_wait3A_264 : memref<1x16xf32, #tpu.memory_space<hbm>> -> memref<16xf32, #tpu.memory_space<hbm>>
        tpu.wait_dma2 semaphore(%run_scoped3A : memref<!tpu.dma_semaphore, #tpu.memory_space<semaphore_mem>>) src(%arg20 : memref<16xf32, #tpu.memory_space<vmem>>) dst(%dma_wait3A_265 : memref<16xf32, #tpu.memory_space<hbm>>)
        tpu.yield
      }) : () -> ()
    } else {
    }
    return
  }
}

</mosaic_0001>

<sc_bundles>
// kernel: _run.3.cloned.1.call-start
scs
__scs_entry_jumppad:
0x0: {  	(pc) =	sbr.rel $0x88, $3  }
0x1: {  	(tag) =	ssettag $0x0;
	lr =	simm.s32 $0x1  }
0x2: {  	[smem:$0x3F9E] =	sst lr;
	_ =	strace $0xD0000000  }
0x3: {  	_ = 	snop  }
0x4: {  	_ = 	snop  }
0x5: {  	_ = 	snop  }
0x6: {  	_ = 	snop  }
0x7: {  	_ = 	snop  }
__scs_overlays_trampoline_lowered:
0x8: {  	[smem:$0x3FAD] =	sst s0  }
0x9: {  	[smem:$0x3FAE] =	sst s1  }
0xa: {  	[smem:$0x3FAF] =	sst s2  }
0xb: {  	[smem:$0x3FB0] =	sst s3  }
0xc: {  	[smem:$0x3FB1] =	sst s4  }
0xd: {  	[smem:$0x3FB2] =	sst s5  }
0xe: {  	[smem:$0x3FB3] =	sst s6  }
0xf: {  	[smem:$0x3FB4] =	sst s7  }
0x10: {  	[smem:$0x3FB5] =	sst s8  }
0x11: {  	[smem:$0x3FB6] =	sst s9;
	s0 =	simm.s32 @!p0 $0x0  }
0x12: {  	s1 =	sld [smem:$0x3F9C];
	s0 =	simm.s32 @p0 $0x1  }
0x13: {  	[smem:$0x3FB7] =	sst s0;
	s0 =	simm.s32 @!p1 $0x0  }
0x14: {  	s2 =	sld [smem:$0x3F9B];
	s0 =	simm.s32 @p1 $0x1  }
0x15: {  	[smem:$0x3FB8] =	sst s0;
	s0 =	simm.s32 @!p2 $0x0  }
0x16: {  	s3 =	sld [smem:$0x3FDB];
	s0 =	simm.s32 @p2 $0x1  }
0x17: {  	s4 =	simm.s32 $0x1BF5;
	[smem:$0x3FBA] =	sst s0  }
0x18: {  	s0 =	sld [smem:$0x3F9D];
	_ =	swait.ge [sflag:s4], $0x0  }
0x19: {  	s7 =	sld [smem:$0x3F9E]  }
0x1a: {  	s8 =	sadd.s32 $0xFFFFE003, lr  }
0x1b: {  	s9 =	sadd.s32 $0xFFFFFEF7, lr;
	s5 =	simm.s32 $0xFFFFFFFF;
	p2 =	slt.u32 s8, $0xFFFFF086  }
0x1c: {  	p1 =	slt.u32 s9, $0xF7A;
	s5 =	simm.s32 @!p2 $0x0  }
0x1d: {  	s5 =	simm.s32 @p1 $0x1;
	p0 =	seq.s32 s7, s2  }
0x1e: {  	s7 =	smul.u32 @!p0 $0xF7A, s2;
	p2 =	seq.s32 @!p0 s5, $0x0  }
0x1f: {  	s9 =	smul.u32 $0xF7A, s1;
	s8 =	simm.s32 @!p0 $0x1BF5;
	p2 =	por !p2, p0  }
0x20: {  	[sflag:s8] =	ssyncset.s32 @!p0 $0xFFFFF086;
	s6 =	sadd.s32 @!p0 s3, s7;
	s7 =	simm.s32 @!p0 $0x108  }
0x21: {  	s3 =	sadd.s32 s3, s9;
	s6 =	sadd.s32 @!p0 $0x88, s6;
	s7 =	simm.s32 @p2 $0x1082  }
0x22: {  	[simem:s7], [sflag:s8] =	dma.local @!p0 [hbm:s6], $0xF7A  }
0x23: {  	s9 =	sor.u32 $0xD0000000, s2;
	s6 =	simm.s32 $0x108;
	_ =	swait.ge @!p0 [sflag:s8], $0x0  }
0x24: {  	s3 =	sadd.s32 $0x88, s3;
	s6 =	simm.s32 @!p1 $0x1082;
	[sflag:s4] =	ssyncset.s32 $0xFFFFF086  }
0x25: {  	[simem:s6], [sflag:s4] =	dma.local [hbm:s3], $0xF7A  }
0x26: {  	[smem:$0x3F9E] =	sst s1;
	(tag) =	ssettag s2;
	_ =	strace s9  }
0x27: {  	s1 =	sld [smem:$0x3FAE]  }
0x28: {  	s2 =	sld [smem:$0x3FAF]  }
0x29: {  	s4 =	sld [smem:$0x3FB1]  }
0x2a: {  	p0 =	seq.s32 s5, $0x0;
	s5 =	sld [smem:$0x3FB2]  }
0x2b: {  	s6 =	sld [smem:$0x3FB3]  }
0x2c: {  	s7 =	sld [smem:$0x3FB4]  }
0x2d: {  	s3 =	simm.s32 $0x108;
	s8 =	sld [smem:$0x3FB5]  }
0x2e: {  	s3 =	simm.s32 @!p0 $0x1082;
	s9 =	sld [smem:$0x3FB6]  }
0x2f: {  	lr =	sadd.s32 s0, s3;
	s0 =	sld [smem:$0x3FAD]  }
0x30: {  	s3 =	sld [smem:$0x3FB0]  }
0x31: {  	[smem:$0x3FB9] =	sst s10  }
0x32: {  	s10 =	sld [smem:$0x3FB7];
	_ =	sdelay $0x3  }
0x33: {  	p0 =	seq.s32 s10, $0x1;
	s10 =	sld [smem:$0x3FB9];
	_ =	sdelay $0x3  }
0x34: {  	[smem:$0x3FB9] =	sst s10  }
0x35: {  	s10 =	sld [smem:$0x3FB8];
	_ =	sdelay $0x3  }
0x36: {  	p1 =	seq.s32 s10, $0x1;
	s10 =	sld [smem:$0x3FB9];
	_ =	sdelay $0x3  }
0x37: {  	[smem:$0x3FB9] =	sst s10  }
0x38: {  	s10 =	sld [smem:$0x3FBA]  }
0x39: {  	_ = 	snop;
	(pc) =	sbr.ind lr, $3  }
0x3a: {  	_ = 	snop  }
0x3b: {  	_ = 	snop  }
0x3c: {  	p2 =	seq.s32 s10, $0x1;
	s10 =	sld [smem:$0x3FB9]  }
0x3d: {  	_ =	shalt  }
0x3e: {  	_ =	shalt  }
0x3f: {  	_ =	shalt  }
0x40: {  	_ =	shalt  }
0x41: {  	_ =	shalt  }
0x42: {  	_ =	shalt  }
0x43: {  	_ =	shalt  }
0x44: {  	_ =	shalt  }
0x45: {  	_ =	shalt  }
0x46: {  	_ =	shalt  }
0x47: {  	_ =	shalt  }
0x48: {  	_ =	shalt  }
0x49: {  	_ =	shalt  }
0x4a: {  	_ =	shalt  }
0x4b: {  	_ =	shalt  }
0x4c: {  	_ =	shalt  }
0x4d: {  	_ =	shalt  }
0x4e: {  	_ =	shalt  }
0x4f: {  	_ =	shalt  }
0x50: {  	_ =	shalt  }
0x51: {  	_ =	shalt  }
0x52: {  	_ =	shalt  }
0x53: {  	_ =	shalt  }
0x54: {  	_ =	shalt  }
0x55: {  	_ =	shalt  }
0x56: {  	_ =	shalt  }
0x57: {  	_ =	shalt  }
0x58: {  	_ =	shalt  }
0x59: {  	_ =	shalt  }
0x5a: {  	_ =	shalt  }
0x5b: {  	_ =	shalt  }
0x5c: {  	_ =	shalt  }
0x5d: {  	_ =	shalt  }
0x5e: {  	_ =	shalt  }
0x5f: {  	_ =	shalt  }
0x60: {  	_ =	shalt  }
0x61: {  	_ =	shalt  }
0x62: {  	_ =	shalt  }
0x63: {  	_ =	shalt  }
0x64: {  	_ =	shalt  }
0x65: {  	_ =	shalt  }
0x66: {  	_ =	shalt  }
0x67: {  	_ =	shalt  }
0x68: {  	_ =	shalt  }
0x69: {  	_ =	shalt  }
0x6a: {  	_ =	shalt  }
0x6b: {  	_ =	shalt  }
0x6c: {  	_ =	shalt  }
0x6d: {  	_ =	shalt  }
0x6e: {  	_ =	shalt  }
0x6f: {  	_ =	shalt  }
0x70: {  	_ =	shalt  }
0x71: {  	_ =	shalt  }
0x72: {  	_ =	shalt  }
0x73: {  	_ =	shalt  }
0x74: {  	_ =	shalt  }
0x75: {  	_ =	shalt  }
0x76: {  	_ =	shalt  }
0x77: {  	_ =	shalt  }
0x78: {  	_ =	shalt  }
0x79: {  	_ =	shalt  }
0x7a: {  	_ =	shalt  }
0x7b: {  	_ =	shalt  }
0x7c: {  	_ =	shalt  }
0x7d: {  	_ =	shalt  }
0x7e: {  	_ =	shalt  }
0x7f: {  	_ =	shalt  }
0x80: {  	_ =	shalt  }
0x81: {  	_ =	shalt  }
0x82: {  	_ =	shalt  }
0x83: {  	_ =	shalt  }
0x84: {  	_ =	shalt  }
0x85: {  	_ =	shalt  }
0x86: {  	_ =	shalt  }
0x87: {  	_ =	shalt  }
.Lfunc_end0:
.L_simem_size_0:
called_computation_lowered:
.L_overlay_start_0:
0x88: {  	s2 =	sld [smem:$0x3FD9]  }
0x89: {  	s3 =	sld [smem:$0x3FFE];
	_ =	sdelay $0x1  }
0x8a: {  	s1 =	srdreg.scid  }
0x8b: {  	s0 =	sand.u32 $0x1, s1  }
0x8c: {  	s15 =	sshll.u32 s0, $0xA;
	s2 =	sadd.s32 s3, s2  }
0x8d: {  	s2 =	sadd.s32 s2, s15  }
0x8e: {  	[smem:$0x3FC5] =	sst s2  }
0x8f: {  	_ = 	snop  }
0x90: {  	s2 =	sld [smem:$0x3FD0]  }
0x91: {  	s16 =	sld [smem:$0x3FC9]  }
0x92: {  	s4 =	sld [smem:$0x3FC8]  }
0x93: {  	s6 =	simm.s32 $0xA;
	s7 =	simm.s32 $0x10;
	s5 =	sld [smem:$0x3FC7]  }
0x94: {  	[smem:s7], [sflag:s6] =	dma.local [hbm:s2], $0x1  }
0x95: {  	_ =	swait.eq [sflag:s6], $0x1  }
0x96: {  	s17 =	sld [smem:$0x10];
	[sflag:s6] =	ssyncset.done $0x0  }
0x97: {  	s18 =	sld [smem:$0x11];
	[sflag:s6] =	ssyncadd.s32 $0xFFFFFFFF  }
0x98: {  	s19 =	sld [smem:$0x12];
	(tm) =	ssettm $0x1  }
0x99: {  	s8 =	sld [smem:$0x3FFB];
	_ =	sdelay $0x3  }
0x9a: {  	_ =	strace s8  }
0x9b: {  	s8 =	sld [smem:$0x3FFC];
	_ =	sdelay $0x3  }
0x9c: {  	_ =	strace s8  }
0x9d: {  	s8 =	sld [smem:$0x3FFD];
	_ =	sdelay $0x3  }
0x9e: {  	_ =	strace s8  }
0x9f: {  	_ =	strace $0x8FFFFFFF  }
0xa0: {  	s20 =	sld [smem:$0x3FDB];
	_ =	sdelay $0x1  }
0xa1: {  	s9 =	simm.s32 $_scs_section_size  }
0xa2: {  	s10 =	simm.s32 $_size__tile_overlayer_lowered;
	s11 =	simm.s32 $_tile_overlayer_lowered  }
0xa3: {  	s23 =	simm.s32 $0x1BFF;
	s22 =	sshll.u32 s11, $0x1;
	s8 =	sadd.s32 s9, s20  }
0xa4: {  	s12 =	simm.s32 $0x0;
	s21 =	sshll.u32 s10, $0x1;
	s10 =	sadd.s32 s22, s8  }
0xa5: {  	[timem:s12], [sflag:s23] =	dma.local [hbm:s10], s21  }
0xa6: {  	_ =	swait.ge [sflag:s23], s21  }
0xa7: {  	s9 =	ssub.s32 $0x0, s21;
	[sflag:s23] =	ssyncset.done $0x0  }
0xa8: {  	[sflag:s23] =	ssyncadd.s32 s9;
	_ =	sdelay $0x1  }
0xa9: {  	s24 =	simm.s32 $0x1B8B  }
0xaa: {  	_ =	swait.ge [sflag:s24], $0x1  }
0xab: {  	[sflag:s24] =	ssyncset.done $0x0  }
0xac: {  	s25 =	simm.s32 $0x1B8E;
	[sflag:s24] =	ssyncadd.s32 $0xFFFFFFFF  }
0xad: {  	s26 =	simm.s32 $execute0_lowered;
	[smem:$0x3FD2] =	sst s25  }
0xae: {  	s9 =	sshll.u32 s26, $0x1;
	_ =	strace $0x80000046;
	[dreg:$0x1] =	wrdreg $0xFFFFFFFF  }
0xaf: {  	s28 =	simm.s32 $_size_execute0_lowered;
	s8 =	sadd.s32 s8, s9;
	[dreg:$0x0] =	wrdreg $0x0  }
0xb0: {  	s9 =	sshll.u32 s28, $0x1;
	[dreg:$0x2] =	wrdreg s8  }
0xb1: {  	[dreg:$0x3] =	wrdreg s9  }
0xb2: {  	[dreg:$0x4] =	wrdreg $0xC0  }
0xb3: {  	_ =	task [dreg:s12], $0x5FFFF  }
0xb4: {  	[dreg:$0x1] =	wrdreg $0xFFFFFFFF  }
0xb5: {  	[dreg:$0x0] =	wrdreg $0x60  }
0xb6: {  	[dreg:$0x2] =	wrdreg s16  }
0xb7: {  	[dreg:$0x3] =	wrdreg s4  }
0xb8: {  	[dreg:$0x4] =	wrdreg s5  }
0xb9: {  	[dreg:$0x5] =	wrdreg s17  }
0xba: {  	[dreg:$0x6] =	wrdreg s18  }
0xbb: {  	[dreg:$0x7] =	wrdreg s19  }
0xbc: {  	[dreg:$0x8] =	wrdreg $0x17000  }
0xbd: {  	[dreg:$0x9] =	wrdreg $0x1B400  }
0xbe: {  	[dreg:$0xa] =	wrdreg $0x9  }
0xbf: {  	_ =	task.clear_ibuf [dreg:s12], $0xBFFFF;
	_ =	strace $0x90000046  }
0xc0: {  	s29 =	simm.s32 $0x9;
	_ =	strace $0x80000048  }
0xc1: {  	_ =	swait.ge [sflag:s29], $0x1  }
0xc2: {  	[sflag:s29] =	ssyncadd.s32 $0xFFFFFFFF  }
0xc3: {  	_ =	strace $0x90000048  }
0xc4: {  	_ =	sfence  }
0xc5: {  	s30 =	sld [smem:$0x0];
	_ =	sdelay $0x2  }
0xc6: {  	s31 =	sshll.u32 s1, $0xD;
	s1 =	sshrl.u32 s1, $0x2  }
0xc7: {  	s3 =	sand.u32 $0x4000, s31;
	s1 =	sadd.s32 s1, s30  }
0xc8: {  	s0 =	sor.u32 s3, s0;
	s1 =	sshll.u32 s1, $0x11  }
0xc9: {  	s0 =	sor.u32 s1, s0  }
0xca: {  	s0 =	sadd.s32 $0x8F2B, s0  }
0xcb: {  	[sflag:s0] =	ssyncadd.remote.s32 $0x1  }
0xcc: {  	_ =	sfence.sel $0xFFFF  }
0xcd: {  	[dreg:$0x0] =	wrdreg $0xFFFFFFFF;
	(pc) =	sbr.abs _section_cstart, $3  }
0xce: {  	[dreg:$0x1] =	wrdreg $0xFFFFFFFF  }
0xcf: {  	_ =	task.clear_ibuf [dreg:s12], $0x2FFFF;
	_ =	strace $0x9FFFFFFF  }
0xd0: {  	(tm) =	ssettm $0x7FFFFFFF  }
0xd1: {  	_ =	shalt  }
tec
execute0_lowered:
.L_overlay_start_1:
0x0: {  	(tag) =	ssettag $0x1  }
0x1: {  	s0 =	rddreg [dreg:$0x0]  }
0x2: {  	s1 =	rddreg [dreg:$0x3]  }
0x3: {  	s4 =	rddreg [dreg:$0x4];
	s2 =	stileid.u32  }
0x4: {  	s11 =	rddreg [dreg:$0x5];
	s7 =	sand.u32 $0x7, s2  }
0x5: {  	s3 =	rddreg [dreg:$0x6];
	v7 =	vlaneseq.u32;
	v6 =	vmov s7  }
0x6: {  	s8 =	rddreg [dreg:$0x7];
	s5 =	simm.s32 $0x0;
	vm0 =	vmmov $0xff;
	vm1 =	vgt.u32 v6, v7  }
0x7: {  	s6 =	srdreg.scid;
	v0 =	vimm.s32 $0x0;
	s16 =	simm.s32 $0x1;
	s18 =	simm.s32 $0x80;
	vm1 =	vmand vm1, vm0  }
0x8: {  	s19 =	simm.s32 $0x300;
	s20 =	simm.s32 $0xFFFFFF00;
	[smem:$0x7FF] =	sst s5;
	v0 =	vsel vm1, $0xFFFFFFFF, v0  }
0x9: {  	s21 =	simm.s32 $0x780;
	s22 =	simm.s32 $0x900;
	_ =	strace $0x80000047;
	vm1 =	vmmov $0x1;
	[tilespmem:$0x1FFE0] =	vst v0;
	v0 =	vimm.s32 $0x0  }
0xa: {  	s23 =	simm.s32 $0x1180;
	s24 =	simm.s32 $0x1200;
	s25 =	simm.s32 $0x1280;
	v0 =	vsel vm1, $0xFFFFFFFF, v0  }
0xb: {  	s28 =	simm.s32 $0x0;
	s9 =	sand.u32 $0x1, s6;
	s6 =	sshrl.u32 s2, $0x3;
	vm1 =	vcmask $0x704;
	[tilespmem:$0x1FFF0] =	vst v0;
	v0 =	vimm.s32 $0x0  }
0xc: {  	v1 =	vimm.s32 $0xFFFFFFEF;
	s10 =	ssub.s32 $0x2, s9;
	s9 =	sshll.u32 s9, $0x8;
	s12 =	sshll.u32 s6, $0x7;
	v3 =	vsel vm1, $0x110, v0;
	vm1 =	vcmask $0xB08  }
0xd: {  	v5 =	vmul.u32 $0xFFFFFFFF, v7;
	s26 =	sshll.u32 s7, $0xB;
	s30 =	sshll.u32 s7, $0x4;
	p0 =	sne.s32 s7, $0x0;
	v4 =	vsel vm1, $0x220, v3;
	vm1 =	vcmask $0xF0C  }
0xe: {  	v2 =	vimm.s32 $0xFFFFFFE1;
	s13 =	sshrl.u32 s10, $0x1;
	s14 =	sor.u32 s9, s12;
	s8 =	sadd.s32 s12, s8;
	v4 =	vsel vm1, $0x330, v4;
	vm1 =	vcmask $0x1310  }
0xf: {  	v5 =	vadd.s32 $0xF, v5;
	s15 =	ssub.s32 s10, s13;
	s9 =	sor.u32 s26, s14;
	s10 =	sadd.s32 s30, s8;
	v8 =	vsel vm1, $0x440, v4;
	vm1 =	vcmask $0x1714  }
0x10: {  	vm3 =	veq.s32 v6, v7;
	s31 =	sshrl.u32 s14, $0x3;
	s26 =	simm.s32 $0x1480;
	s29 =	sshrl.u32 s9, $0x3;
	v8 =	vsel vm1, $0x550, v8;
	vm1 =	vcmask $0x1B18  }
0x11: {  	v6 =	vor.u32 $0x80000000, v7;
	s13 =	sadd.s32 s4, s31;
	s14 =	smax.u32 s15, $0x1;
	s15 =	simm.s32 $0x200;
	v8 =	vsel vm1, $0x660, v8;
	vm1 =	vcmask $0x1F1C  }
0x12: {  	s9 =	sadd.s32 s0, s29;
	s11 =	sadd.s32 s11, s29;
	s12 =	sadd.s32 s1, s29;
	v3 =	vimm.s32 $0xFFFFFFF9;
	v4 =	vimm.s32 $0x1;
	v7 =	vsel vm1, $0x770, v8  }
.LBB2_1:
0x13: {  	s0 =	rddreg [dreg:$0x1]  }
0x14: {  	[tilespmem:s15], [sflag:$0x1] =	stream.linear.gather [hbm4b:s0+s5], $0x3, $0x38;
	[tilespmem:$0x1B50] =	vst v63  }
0x15: {  	_ =	swait.ge [sflag:s16], $0x3  }
0x16: {  	[sflag:s16] =	ssyncset.done $0x0  }
0x17: {  	[sflag:s16] =	ssyncadd.s32 $0xFFFFFFFD  }
0x18: {  	s1 =	simm.s32 $0x280;
	s31 =	rddreg [dreg:$0x2]  }
0x19: {  	[tilespmem:s1], [sflag:$0x1] =	stream.linear.gather [hbm4b:s31+s5], $0x80, $0x38;
	[tilespmem:$0x1B50] =	vst v63  }
0x1a: {  	_ =	swait.ge [sflag:s16], $0x80  }
0x1b: {  	[sflag:s16] =	ssyncset.done $0x0  }
0x1c: {  	[sflag:s16] =	ssyncadd.s32 $0xFFFFFF80  }
0x1d: {  	[tilespmem:s5], [sflag:$0x1] =	stream.strided.gather [hbm4b:s9+s18], $0x200, s15, s18, $0x38;
	[tilespmem:$0x1B50] =	vst v63  }
0x1e: {  	_ =	swait.ge [sflag:s16], $0x200  }
0x1f: {  	[sflag:s16] =	ssyncset.done $0x0  }
0x20: {  	[sflag:s16] =	ssyncadd.s32 $0xFFFFFE00  }
0x21: {  	v8 =	vld [tilespmem:$0x200]  }
0x22: {  	v15 =	vld [tilespmem:$0x1FFF0]  }
0x23: {  	v9 =	vld [tilespmem:$0x280]  }
0x24: {  	v10 =	vld [tilespmem:$0x290]  }
0x25: {  	v11 =	vld [tilespmem:$0x2A0]  }
0x26: {  	v14 =	vld [tilespmem:$0x2B0];
	v12 =	vbroadcast v8, $0x0;
	v13 =	vbroadcast v8, $0x1  }
0x27: {  	vm1 =	vnez.u8 v15  }
0x28: {  	v9 =	vmul.f32 v9, v12;
	v12 =	vsel vm1, v12, v13  }
0x29: {  	v8 =	vbroadcast v8, $0x2;
	v10 =	vmul.f32 v10, v12  }
0x2a: {  	[tilespmem:$0x300] =	vst v9;
	v9 =	vmul.f32 v11, v13  }
0x2b: {  	[tilespmem:$0x310] =	vst v10;
	v10 =	vmul.f32 v14, v8  }
0x2c: {  	[tilespmem:$0x320] =	vst v9  }
0x2d: {  	s29 =	simm.s32 $0x0;
	[tilespmem:$0x330] =	vst v10  }
0x2e: {  	v11 =	vld [tilespmem:s29+$0x20]  }
0x2f: {  	v12 =	vld [tilespmem:s29+$0x0]  }
0x30: {  	v13 =	vld [tilespmem:s29+$0x10];
	_ =	sdelay $0x2  }
0x31: {  	v8 =	vbroadcast v10, $0x0;
	v14 =	vcvt.s32.f32 v11  }
0x32: {  	v9 =	vbroadcast v10, $0x1;
	v10 =	vcvt.s32.f32 v12  }
0x33: {  	v18 =	vcvt.s32.f32 v13;
	v15 =	vmul.f32 $5.882352960e-02, v14  }
0x34: {  	v16 =	vmul.f32 $3.225806360e-02, v14;
	v17 =	vmul.f32 $1.428571490e-01, v10  }
0x35: {  	v19 =	vmul.f32 $5.882352960e-02, v10;
	v10 =	vmul.f32 $3.225806360e-02, v10  }
0x36: {  	v20 =	vmul.f32 $1.428571490e-01, v18;
	v14 =	vmul.f32 $1.428571490e-01, v14  }
0x37: {  	v21 =	vmul.f32 $5.882352960e-02, v18;
	v18 =	vmul.f32 $3.225806360e-02, v18  }
0x38: {  	v19 =	vtrunc.f32 v19;
	v10 =	vtrunc.f32 v10  }
0x39: {  	v17 =	vtrunc.f32 v17;
	v21 =	vtrunc.f32 v21  }
0x3a: {  	v18 =	vtrunc.f32 v18;
	v20 =	vtrunc.f32 v20  }
0x3b: {  	v15 =	vtrunc.f32 v15;
	v16 =	vtrunc.f32 v16  }
0x3c: {  	v14 =	vtrunc.f32 v14;
	v17 =	vcvt.f32.s32 v17  }
0x3d: {  	v19 =	vcvt.f32.s32 v19;
	v10 =	vcvt.f32.s32 v10  }
0x3e: {  	v21 =	vcvt.f32.s32 v21;
	v18 =	vcvt.f32.s32 v18;
	v17 =	vmul.u32 $0xFFFFFFF9, v17  }
0x3f: {  	v20 =	vcvt.f32.s32 v20;
	v19 =	vmul.u32 $0xFFFFFFEF, v19;
	v10 =	vmul.u32 $0xFFFFFFE1, v10  }
0x40: {  	v15 =	vcvt.f32.s32 v15;
	v14 =	vcvt.f32.s32 v14;
	v17 =	vadd.s32 v12, v17  }
0x41: {  	v19 =	vadd.s32 v12, v19;
	v10 =	vadd.s32 v12, v10;
	vm1 =	vlt.s32 v17, $0x7  }
0x42: {  	v12 =	vcvt.f32.s32 v16;
	v16 =	vsel vm1, $0x0, v3;
	vm1 =	vlt.s32 v10, $0x1F  }
0x43: {  	v18 =	vmul.u32 $0xFFFFFFE1, v18;
	v20 =	vmul.u32 $0xFFFFFFF9, v20;
	v22 =	vsel vm1, $0x0, v2  }
0x44: {  	v15 =	vmul.u32 $0xFFFFFFEF, v15;
	vm1 =	vlt.s32 v19, $0x11;
	v10 =	vadd.s32 v22, v10  }
0x45: {  	v14 =	vmul.u32 $0xFFFFFFF9, v14;
	v22 =	vld [tilespmem:s29+$0x30];
	v23 =	vsel vm1, $0x0, v1;
	v10 =	vadd.s32 $0x11, v10  }
0x46: {  	v21 =	vmul.u32 $0xFFFFFFEF, v21;
	v18 =	vadd.s32 v13, v18;
	v19 =	vadd.s32 v19, v23  }
0x47: {  	v20 =	vadd.s32 v13, v20;
	v17 =	vsub.s32 $0x0, v17;
	vm4 =	vlt.s32 v18, $0x1F  }
0x48: {  	vm5 =	vlt.s32 v20, $0x7;
	v20 =	vsub.s32 $0x0, v20;
	v12 =	vmul.u32 $0xFFFFFFE1, v12  }
0x49: {  	vm1 =	veq.s32 v16, v17;
	v16 =	vsel vm4, $0x0, v2;
	v17 =	vsel vm5, $0x0, v3  }
0x4a: {  	v12 =	vadd.s32 v11, v12;
	vm4 =	veq.s32 v17, v20;
	v17 =	vcvt.s32.f32 v22;
	v10 =	vld.idx.msk [tilespmem:v10+s19+$0x0], $0xffff  }
0x4b: {  	v15 =	vadd.s32 v11, v15;
	v16 =	vadd.s32 v16, v18;
	vm5 =	vlt.s32 v12, $0x1F;
	v19 =	vld.idx.msk [tilespmem:v19+s19+$0x0], $0xffff  }
0x4c: {  	v18 =	vsel vm5, $0x0, v2;
	vm5 =	vlt.s32 v15, $0x11;
	v20 =	vmul.f32 $5.882352960e-02, v17  }
0x4d: {  	v14 =	vadd.s32 v11, v14;
	v18 =	vadd.s32 v18, v12;
	v12 =	vsel vm5, $0x0, v1  }
0x4e: {  	vm6 =	vlt.s32 v14, $0x7;
	v26 =	vadd.s32 v15, v12;
	v12 =	vtrunc.f32 v20  }
0x4f: {  	v15 =	vmul.f32 $1.428571490e-01, v17;
	v11 =	vcvt.f32.s32 v12;
	v12 =	vadd.s32 v13, v21  }
0x50: {  	v23 =	vmul.f32 $3.225806360e-02, v17;
	v10 =	vadd.f32 v10, v19;
	vm5 =	vlt.s32 v12, $0x11  }
0x51: {  	v17 =	vsel vm1, v8, v9;
	v15 =	vtrunc.f32 v15;
	v19 =	vsel vm5, $0x0, v1  }
0x52: {  	v13 =	vtrunc.f32 v23;
	v17 =	vadd.f32 v17, v10;
	v19 =	vadd.s32 v12, v19  }
0x53: {  	s30 =	simm.s32 $0x40;
	v21 =	vmul.u32 $0xFFFFFFEF, v11;
	v11 =	vcvt.f32.s32 v13;
	v13 =	vadd.s32 $0x11, v16  }
0x54: {  	v10 =	vld [tilespmem:s30+$0x20];
	vm1 =	vlt.s32 v17, $0x0;
	v16 =	vxor.u32 $0xFFFFFFFF, v17;
	v23 =	vxor.u32 $0x80000000, v17  }
0x55: {  	v14 =	vsub.s32 $0x0, v14;
	v15 =	vcvt.f32.s32 v15;
	v12 =	vld [tilespmem:s30+$0x0];
	[tilespmem:s29+$0x380] =	vst v17;
	v16 =	vsel vm1, v16, v23  }
0x56: {  	v20 =	vsel vm6, $0x0, v3;
	v21 =	vadd.s32 v22, v21;
	v17 =	vmul.u32 $0xFFFFFFE1, v11;
	v11 =	vld [tilespmem:s30+$0x10];
	[tilespmem:s29+$0x580] =	vst v16  }
0x57: {  	vm5 =	veq.s32 v20, v14;
	v15 =	vmul.u32 $0xFFFFFFF9, v15;
	vm1 =	vlt.s32 v21, $0x11;
	v20 =	vld.idx.msk [tilespmem:v19+s19+$0x0], $0xffff  }
0x58: {  	v14 =	vadd.s32 v22, v17;
	v16 =	vsel vm1, $0x0, v1;
	v23 =	vld.idx.msk [tilespmem:v13+s19+$0x0], $0xffff  }
0x59: {  	v15 =	vadd.s32 v22, v15;
	vm1 =	vlt.s32 v14, $0x1F;
	v13 =	vadd.s32 v21, v16  }
0x5a: {  	v21 =	vcvt.s32.f32 v10;
	v16 =	vsel vm1, $0x0, v2;
	vm1 =	vlt.s32 v15, $0x7  }
0x5b: {  	v15 =	vsub.s32 $0x0, v15;
	v19 =	vadd.s32 v16, v14;
	v14 =	vcvt.s32.f32 v12  }
0x5c: {  	v16 =	vmul.f32 $5.882352960e-02, v21;
	v17 =	vmul.f32 $3.225806360e-02, v21;
	v24 =	vsel vm1, $0x0, v3  }
0x5d: {  	v27 =	vcvt.s32.f32 v11;
	v28 =	vmul.f32 $5.882352960e-02, v14;
	v20 =	vadd.f32 v23, v20  }
0x5e: {  	v25 =	vmul.f32 $1.428571490e-01, v14;
	v29 =	vmul.f32 $3.225806360e-02, v14;
	v23 =	vsel vm4, v8, v9  }
0x5f: {  	v14 =	vmul.f32 $1.428571490e-01, v21;
	v28 =	vtrunc.f32 v28;
	v20 =	vadd.f32 v23, v20  }
0x60: {  	vm4 =	veq.s32 v24, v15;
	v63 =	vtrunc.f32 v25;
	v23 =	vmul.f32 $5.882352960e-02, v27  }
0x61: {  	vm1 =	vlt.s32 v20, $0x0;
	v24 =	vxor.u32 $0xFFFFFFFF, v20;
	v25 =	vxor.u32 $0x80000000, v20  }
0x62: {  	v15 =	vcvt.f32.s32 v28;
	v24 =	vsel vm1, v24, v25;
	v25 =	vadd.s32 $0x11, v18  }
0x63: {  	v22 =	vmul.f32 $1.428571490e-01, v27;
	v21 =	vtrunc.f32 v29  }
0x64: {  	v21 =	vcvt.f32.s32 v21;
	v23 =	vtrunc.f32 v23;
	[tilespmem:s29+$0x390] =	vst v20;
	v20 =	vmul.u32 $0xFFFFFFEF, v15  }
0x65: {  	v15 =	vcvt.f32.s32 v23;
	v23 =	vmul.f32 $3.225806360e-02, v27;
	[tilespmem:s29+$0x590] =	vst v24  }
0x66: {  	s1 =	simm.s32 $0x200;
	v21 =	vmul.u32 $0xFFFFFFE1, v21;
	v20 =	vadd.s32 v12, v20;
	v24 =	vcvt.f32.s32 v63;
	v18 =	vld.idx.msk [tilespmem:v26+s19+$0x0], $0xffff  }
.LBB2_2:
0x67: {  	p1 =	sne.s32 s1, $0x700;
	v23 =	vtrunc.f32 v23;
	v22 =	vtrunc.f32 v22;
	v25 =	vld.idx.msk [tilespmem:v25+s19+$0x0], $0xffff;
	v19 =	vadd.s32 $0x11, v19;
	s31 =	smov.u32 s1;
	s1 =	sadd.s32 $0x100, s1  }
0x68: {  	v24 =	vmul.u32 $0xFFFFFFF9, v24;
	v23 =	vcvt.f32.s32 v23;
	v22 =	vcvt.f32.s32 v22  }
0x69: {  	v16 =	vtrunc.f32 v16;
	v17 =	vtrunc.f32 v17;
	v26 =	vsel vm5, v8, v9  }
0x6a: {  	v24 =	vadd.s32 v12, v24;
	v23 =	vmul.u32 $0xFFFFFFE1, v23;
	v22 =	vmul.u32 $0xFFFFFFF9, v22  }
0x6b: {  	v16 =	vcvt.f32.s32 v16;
	v17 =	vcvt.f32.s32 v17;
	vm1 =	vlt.s32 v24, $0x7  }
0x6c: {  	v24 =	vsub.s32 $0x0, v24;
	v27 =	vsel vm1, $0x0, v3;
	v23 =	vadd.s32 v11, v23  }
0x6d: {  	v18 =	vadd.f32 v25, v18;
	vm7 =	veq.s32 v27, v24;
	vm1 =	vlt.s32 v23, $0x1F;
	v24 =	vld [tilespmem:s30+$0x30]  }
0x6e: {  	v17 =	vmul.u32 $0xFFFFFFE1, v17;
	v22 =	vadd.s32 v11, v22;
	v25 =	vsel vm1, $0x0, v2  }
0x6f: {  	vm1 =	vlt.s32 v22, $0x7;
	v18 =	vadd.f32 v26, v18;
	v23 =	vadd.s32 v25, v23  }
0x70: {  	v17 =	vadd.s32 v10, v17;
	v22 =	vsub.s32 $0x0, v22;
	v25 =	vsel vm1, $0x0, v3  }
0x71: {  	vm1 =	vlt.s32 v18, $0x0;
	v26 =	vxor.u32 $0xFFFFFFFF, v18;
	[tilespmem:s29+$0x3A0] =	vst v18;
	v18 =	vxor.u32 $0x80000000, v18  }
0x72: {  	vm5 =	vlt.s32 v17, $0x1F;
	vm6 =	veq.s32 v25, v22;
	v18 =	vsel vm1, v26, v18  }
0x73: {  	v16 =	vmul.u32 $0xFFFFFFEF, v16;
	v22 =	vsel vm5, $0x0, v2;
	v25 =	vcvt.s32.f32 v24;
	[tilespmem:s29+$0x5A0] =	vst v18  }
0x74: {  	v12 =	vadd.s32 v12, v21;
	v21 =	vadd.s32 v22, v17;
	v13 =	vld.idx.msk [tilespmem:v13+s19+$0x0], $0xffff  }
0x75: {  	v14 =	vtrunc.f32 v14;
	v16 =	vadd.s32 v10, v16;
	vm1 =	vlt.s32 v12, $0x1F;
	v17 =	vld.idx.msk [tilespmem:v19+s19+$0x0], $0xffff  }
0x76: {  	v14 =	vcvt.f32.s32 v14;
	v18 =	vsel vm1, $0x0, v2;
	vm1 =	vlt.s32 v16, $0x11  }
0x77: {  	v12 =	vadd.s32 v18, v12;
	v18 =	vsel vm1, $0x0, v1;
	v19 =	vmul.f32 $5.882352960e-02, v25  }
0x78: {  	v14 =	vmul.u32 $0xFFFFFFF9, v14;
	v18 =	vadd.s32 v16, v18;
	v16 =	vmul.f32 $3.225806360e-02, v25  }
0x79: {  	v22 =	vmul.f32 $1.428571490e-01, v25;
	v25 =	vsel vm4, v8, v9;
	v19 =	vtrunc.f32 v19  }
0x7a: {  	v10 =	vadd.s32 v10, v14;
	v16 =	vtrunc.f32 v16;
	v14 =	vcvt.f32.s32 v19  }
0x7b: {  	vm1 =	vlt.s32 v20, $0x11;
	vm4 =	vlt.s32 v10, $0x7;
	v13 =	vadd.f32 v17, v13  }
0x7c: {  	v10 =	vsub.s32 $0x0, v10;
	v19 =	vsel vm4, $0x0, v3;
	v17 =	vsel vm1, $0x0, v1  }
0x7d: {  	v12 =	vadd.s32 $0x11, v12;
	v17 =	vadd.s32 v20, v17;
	v13 =	vadd.f32 v25, v13  }
0x7e: {  	vm5 =	veq.s32 v19, v10;
	v10 =	vmul.u32 $0xFFFFFFEF, v14;
	v14 =	vcvt.f32.s32 v16  }
0x7f: {  	vm1 =	vlt.s32 v13, $0x0;
	v16 =	vxor.u32 $0xFFFFFFFF, v13;
	[tilespmem:s29+$0x3B0] =	vst v13;
	v13 =	vxor.u32 $0x80000000, v13  }
0x80: {  	v10 =	vadd.s32 v24, v10;
	v14 =	vmul.u32 $0xFFFFFFE1, v14;
	v13 =	vsel vm1, v16, v13  }
0x81: {  	vm1 =	vlt.s32 v10, $0x11;
	v16 =	vtrunc.f32 v22;
	[tilespmem:s29+$0x5B0] =	vst v13;
	s29 =	smov.u32 s30  }
0x82: {  	v14 =	vadd.s32 v24, v14;
	v13 =	vsel vm1, $0x0, v1;
	v16 =	vcvt.f32.s32 v16;
	v12 =	vld.idx.msk [tilespmem:v12+s19+$0x0], $0xffff  }
0x83: {  	vm1 =	vlt.s32 v14, $0x1F;
	v13 =	vadd.s32 v10, v13;
	v17 =	vld.idx.msk [tilespmem:v17+s19+$0x0], $0xffff  }
0x84: {  	v10 =	vsel vm1, $0x0, v2;
	v16 =	vmul.u32 $0xFFFFFFF9, v16  }
0x85: {  	v19 =	vadd.s32 v10, v14  }
0x86: {  	v10 =	vmul.u32 $0xFFFFFFEF, v15;
	v14 =	vadd.s32 v24, v16  }
0x87: {  	vm1 =	vlt.s32 v14, $0x7  }
0x88: {  	v10 =	vadd.s32 v11, v10;
	v14 =	vsub.s32 $0x0, v14;
	v11 =	vsel vm1, $0x0, v3  }
0x89: {  	vm1 =	vlt.s32 v10, $0x11;
	v12 =	vadd.f32 v12, v17;
	vm4 =	veq.s32 v11, v14  }
0x8a: {  	v11 =	vsel vm7, v8, v9;
	v14 =	vsel vm1, $0x0, v1  }
0x8b: {  	v15 =	vadd.s32 $0x11, v23;
	v14 =	vadd.s32 v10, v14;
	v11 =	vadd.f32 v11, v12  }
0x8c: {  	s30 =	sshra.s32 s31, $0x2  }
0x8d: {  	vm1 =	vlt.s32 v11, $0x0;
	v16 =	vxor.u32 $0xFFFFFFFF, v11;
	v17 =	vxor.u32 $0x80000000, v11;
	v10 =	vld [tilespmem:s30+$0x20]  }
0x8e: {  	v16 =	vsel vm1, v16, v17;
	v12 =	vld [tilespmem:s30+$0x0];
	[tilespmem:s29+$0x380] =	vst v11  }
0x8f: {  	v11 =	vld [tilespmem:s30+$0x10];
	[tilespmem:s29+$0x580] =	vst v16  }
0x90: {  	v20 =	vld.idx.msk [tilespmem:v14+s19+$0x0], $0xffff  }
0x91: {  	v15 =	vld.idx.msk [tilespmem:v15+s19+$0x0], $0xffff  }
0x92: {  	v14 =	vcvt.s32.f32 v10  }
0x93: {  	v22 =	vcvt.s32.f32 v12  }
0x94: {  	v16 =	vmul.f32 $5.882352960e-02, v14;
	v17 =	vmul.f32 $3.225806360e-02, v14  }
0x95: {  	v24 =	vcvt.s32.f32 v11;
	v23 =	vmul.f32 $1.428571490e-01, v22  }
0x96: {  	v27 =	vsel vm6, v8, v9;
	v26 =	vmul.f32 $5.882352960e-02, v22;
	v25 =	vmul.f32 $3.225806360e-02, v22  }
0x97: {  	v14 =	vmul.f32 $1.428571490e-01, v14;
	v22 =	vmul.f32 $1.428571490e-01, v24;
	v15 =	vadd.f32 v15, v20  }
0x98: {  	v28 =	vmul.f32 $5.882352960e-02, v24;
	v20 =	vtrunc.f32 v25;
	v25 =	vadd.s32 $0x11, v21  }
0x99: {  	v21 =	vtrunc.f32 v26;
	v26 =	vtrunc.f32 v23;
	v15 =	vadd.f32 v27, v15  }
.Ltmp0:
0x9a: {  	v21 =	vcvt.f32.s32 v21;
	v23 =	vtrunc.f32 v28;
	(pc) =	sbr.rel @p1 .LBB2_2-.Ltmp0, $4  }
0x9b: {  	vm1 =	vlt.s32 v15, $0x0;
	v27 =	vxor.u32 $0xFFFFFFFF, v15;
	[tilespmem:s29+$0x390] =	vst v15;
	v15 =	vxor.u32 $0x80000000, v15  }
0x9c: {  	v28 =	vcvt.f32.s32 v20;
	v21 =	vmul.u32 $0xFFFFFFEF, v21;
	v20 =	vsel vm1, v27, v15  }
0x9d: {  	v15 =	vcvt.f32.s32 v23;
	v23 =	vmul.f32 $3.225806360e-02, v24;
	[tilespmem:s29+$0x590] =	vst v20  }
0x9e: {  	v24 =	vcvt.f32.s32 v26;
	v20 =	vadd.s32 v12, v21;
	v21 =	vmul.u32 $0xFFFFFFE1, v28;
	v18 =	vld.idx.msk [tilespmem:v18+s19+$0x0], $0xffff  }
0x9f: {  	_ =	sdelay $0x3  }
0xa0: {  	v25 =	vld.idx.msk [tilespmem:v25+s19+$0x0], $0xffff;
	_ =	sdelay $0x4  }
0xa1: {  	v18 =	vadd.f32 v25, v18  }
0xa2: {  	v50 =	vsel vm5, v8, v9  }
0xa3: {  	v25 =	vadd.f32 v50, v18  }
0xa4: {  	v19 =	vadd.s32 $0x11, v19  }
0xa5: {  	vm1 =	vlt.s32 v25, $0x0;
	v26 =	vxor.u32 $0xFFFFFFFF, v25;
	v27 =	vxor.u32 $0x80000000, v25  }
0xa6: {  	v18 =	vld [tilespmem:s30+$0x30];
	[tilespmem:s29+$0x3A0] =	vst v25;
	v51 =	vsel vm1, v26, v27  }
0xa7: {  	[tilespmem:s29+$0x5A0] =	vst v51  }
0xa8: {  	v13 =	vld.idx.msk [tilespmem:v13+s19+$0x0], $0xffff  }
0xa9: {  	v19 =	vld.idx.msk [tilespmem:v19+s19+$0x0], $0xffff;
	_ =	sdelay $0x2  }
0xaa: {  	v21 =	vadd.s32 v12, v21  }
0xab: {  	vm1 =	vlt.s32 v21, $0x1F  }
0xac: {  	v52 =	vsel vm1, $0x0, v2;
	v13 =	vadd.f32 v19, v13  }
0xad: {  	v54 =	vsel vm4, v8, v9;
	vm1 =	vlt.s32 v20, $0x11;
	v53 =	vadd.s32 v52, v21  }
0xae: {  	v55 =	vsel vm1, $0x0, v1;
	v19 =	vadd.s32 $0x11, v53;
	v13 =	vadd.f32 v54, v13  }
0xaf: {  	v56 =	vadd.s32 v20, v55  }
0xb0: {  	vm1 =	vlt.s32 v13, $0x0;
	v21 =	vxor.u32 $0xFFFFFFFF, v13;
	v57 =	vxor.u32 $0x80000000, v13  }
0xb1: {  	[tilespmem:s29+$0x3B0] =	vst v13;
	v58 =	vsel vm1, v21, v57  }
0xb2: {  	[tilespmem:s29+$0x5B0] =	vst v58  }
0xb3: {  	v59 =	vtrunc.f32 v23;
	v19 =	vld.idx.msk [tilespmem:v19+s19+$0x0], $0xffff  }
0xb4: {  	v15 =	vmul.u32 $0xFFFFFFEF, v15;
	v60 =	vmul.u32 $0xFFFFFFF9, v24;
	v13 =	vcvt.f32.s32 v59;
	v20 =	vld.idx.msk [tilespmem:v56+s19+$0x0], $0xffff;
	_ =	sdelay $0x1  }
0xb5: {  	v63 =	vadd.s32 v11, v15;
	v61 =	vadd.s32 v12, v60;
	v13 =	vmul.u32 $0xFFFFFFE1, v13  }
0xb6: {  	vm5 =	vlt.s32 v63, $0x11;
	vm1 =	vlt.s32 v61, $0x7  }
0xb7: {  	v12 =	vsub.s32 $0x0, v61;
	v62 =	vsel vm1, $0x0, v3;
	v13 =	vadd.s32 v11, v13  }
0xb8: {  	vm1 =	veq.s32 v62, v12;
	vm4 =	vlt.s32 v13, $0x1F;
	v24 =	vadd.f32 v19, v20  }
0xb9: {  	v27 =	vsel vm5, $0x0, v1;
	v26 =	vsel vm1, v8, v9;
	v25 =	vsel vm4, $0x0, v2  }
0xba: {  	v12 =	vadd.s32 v63, v27;
	v13 =	vadd.s32 v25, v13;
	v15 =	vadd.f32 v26, v24  }
0xbb: {  	v17 =	vtrunc.f32 v17;
	v13 =	vadd.s32 $0x11, v13  }
0xbc: {  	vm1 =	vlt.s32 v15, $0x0;
	v20 =	vxor.u32 $0xFFFFFFFF, v15;
	v29 =	vxor.u32 $0x80000000, v15  }
0xbd: {  	v28 =	vtrunc.f32 v22;
	v17 =	vcvt.f32.s32 v17;
	[tilespmem:s30+$0x380] =	vst v15;
	v30 =	vsel vm1, v20, v29  }
0xbe: {  	v19 =	vcvt.f32.s32 v28;
	[tilespmem:s30+$0x580] =	vst v30  }
0xbf: {  	v31 =	vtrunc.f32 v16;
	v34 =	vmul.u32 $0xFFFFFFE1, v17;
	v12 =	vld.idx.msk [tilespmem:v12+s19+$0x0], $0xffff  }
0xc0: {  	v32 =	vmul.u32 $0xFFFFFFF9, v19;
	v15 =	vcvt.f32.s32 v31;
	v13 =	vld.idx.msk [tilespmem:v13+s19+$0x0], $0xffff  }
0xc1: {  	v16 =	vadd.s32 v10, v34  }
0xc2: {  	vm4 =	vlt.s32 v16, $0x1F;
	v33 =	vadd.s32 v11, v32;
	v15 =	vmul.u32 $0xFFFFFFEF, v15  }
0xc3: {  	v37 =	vsel vm4, $0x0, v2;
	vm1 =	vlt.s32 v33, $0x7  }
0xc4: {  	v11 =	vsub.s32 $0x0, v33;
	v35 =	vsel vm1, $0x0, v3;
	v36 =	vadd.s32 v10, v15  }
0xc5: {  	vm1 =	veq.s32 v35, v11;
	vm4 =	vlt.s32 v36, $0x11;
	v12 =	vadd.f32 v13, v12  }
0xc6: {  	v41 =	vcvt.s32.f32 v18;
	v40 =	vsel vm1, v8, v9;
	v39 =	vsel vm4, $0x0, v1  }
0xc7: {  	v38 =	vadd.s32 v37, v16;
	v11 =	vadd.s32 v36, v39;
	v12 =	vadd.f32 v40, v12  }
0xc8: {  	v14 =	vtrunc.f32 v14;
	v43 =	vmul.f32 $5.882352960e-02, v41;
	v13 =	vadd.s32 $0x11, v38  }
0xc9: {  	vm1 =	vlt.s32 v12, $0x0;
	v16 =	vxor.u32 $0xFFFFFFFF, v12;
	v42 =	vxor.u32 $0x80000000, v12  }
0xca: {  	v14 =	vcvt.f32.s32 v14;
	v44 =	vmul.f32 $3.225806360e-02, v41;
	[tilespmem:s30+$0x390] =	vst v12;
	v45 =	vsel vm1, v16, v42  }
0xcb: {  	v47 =	vtrunc.f32 v43;
	[tilespmem:s30+$0x590] =	vst v45  }
0xcc: {  	v46 =	vmul.u32 $0xFFFFFFF9, v14;
	v48 =	vtrunc.f32 v44;
	v14 =	vcvt.f32.s32 v47;
	v11 =	vld.idx.msk [tilespmem:v11+s19+$0x0], $0xffff  }
0xcd: {  	v16 =	vcvt.f32.s32 v48;
	v13 =	vld.idx.msk [tilespmem:v13+s19+$0x0], $0xffff  }
0xce: {  	v50 =	vmul.u32 $0xFFFFFFEF, v14  }
0xcf: {  	v49 =	vadd.s32 v10, v46;
	v51 =	vmul.u32 $0xFFFFFFE1, v16  }
0xd0: {  	v53 =	vadd.s32 v18, v50;
	v10 =	vsub.s32 $0x0, v49;
	vm1 =	vlt.s32 v49, $0x7  }
0xd1: {  	vm4 =	vlt.s32 v53, $0x11;
	v52 =	vsel vm1, $0x0, v3;
	v54 =	vadd.s32 v18, v51  }
0xd2: {  	vm1 =	veq.s32 v52, v10;
	vm5 =	vlt.s32 v54, $0x1F;
	v11 =	vadd.f32 v13, v11  }
0xd3: {  	v55 =	vsel vm4, $0x0, v1;
	v16 =	vsel vm1, v8, v9;
	v56 =	vsel vm5, $0x0, v2  }
0xd4: {  	v10 =	vadd.s32 v53, v55;
	v12 =	vadd.s32 v56, v54;
	v11 =	vadd.f32 v16, v11  }
0xd5: {  	v57 =	vmul.f32 $1.428571490e-01, v41;
	v12 =	vadd.s32 $0x11, v12  }
0xd6: {  	vm1 =	vlt.s32 v11, $0x0;
	v58 =	vxor.u32 $0xFFFFFFFF, v11;
	v59 =	vxor.u32 $0x80000000, v11  }
0xd7: {  	v13 =	vtrunc.f32 v57;
	[tilespmem:s30+$0x3A0] =	vst v11;
	v60 =	vsel vm1, v58, v59  }
0xd8: {  	v13 =	vcvt.f32.s32 v13;
	[tilespmem:s30+$0x5A0] =	vst v60  }
0xd9: {  	v10 =	vld.idx.msk [tilespmem:v10+s19+$0x0], $0xffff  }
0xda: {  	v61 =	vmul.u32 $0xFFFFFFF9, v13;
	v12 =	vld.idx.msk [tilespmem:v12+s19+$0x0], $0xffff;
	_ =	sdelay $0x1  }
0xdb: {  	v11 =	vadd.s32 v18, v61  }
0xdc: {  	vm1 =	vlt.s32 v11, $0x7  }
0xdd: {  	v11 =	vsub.s32 $0x0, v11;
	v62 =	vsel vm1, $0x0, v3  }
0xde: {  	vm1 =	veq.s32 v62, v11;
	v10 =	vadd.f32 v12, v10  }
0xdf: {  	v8 =	vsel vm1, v8, v9  }
0xe0: {  	v8 =	vadd.f32 v8, v10;
	_ =	sdelay $0x1  }
0xe1: {  	vm1 =	vlt.s32 v8, $0x0;
	v63 =	vxor.u32 $0xFFFFFFFF, v8;
	v10 =	vxor.u32 $0x80000000, v8  }
0xe2: {  	[tilespmem:s30+$0x3B0] =	vst v8;
	v8 =	vsel vm1, v63, v10  }
0xe3: {  	s1 =	simm.s32 $0x0;
	s29 =	simm.s32 $0x40;
	[tilespmem:s30+$0x5B0] =	vst v8;
	s30 =	simm.s32 $0x0  }
.LBB2_4:
0xe4: {  	[tilespmem:$0x780] =	vst v0  }
0xe5: {  	[tilespmem:$0x790] =	vst v0  }
0xe6: {  	[tilespmem:$0x7A0] =	vst v0  }
0xe7: {  	[tilespmem:$0x7B0] =	vst v0  }
0xe8: {  	[tilespmem:$0x7C0] =	vst v0  }
0xe9: {  	[tilespmem:$0x7D0] =	vst v0  }
0xea: {  	[tilespmem:$0x7E0] =	vst v0  }
0xeb: {  	[tilespmem:$0x7F0] =	vst v0  }
0xec: {  	[tilespmem:$0x800] =	vst v0  }
0xed: {  	[tilespmem:$0x810] =	vst v0  }
0xee: {  	[tilespmem:$0x820] =	vst v0  }
0xef: {  	[tilespmem:$0x830] =	vst v0  }
0xf0: {  	[tilespmem:$0x840] =	vst v0  }
0xf1: {  	[tilespmem:$0x850] =	vst v0;
	s0 =	sxor.u32 $0x3, s1  }
0xf2: {  	[tilespmem:$0x860] =	vst v0;
	s31 =	sshll.u32 s0, $0x3  }
0xf3: {  	[tilespmem:$0x870] =	vst v0;
	s4 =	sshll.u32 s20, s31  }
0xf4: {  	[tilespmem:$0x880] =	vst v0;
	v9 =	vmov s30;
	v10 =	vmov s31;
	v8 =	vmov s4;
	s4 =	simm.s32 $0x0  }
.LBB2_5:
0xf5: {  	s2 =	sshra.s32 s4, $0x2  }
0xf6: {  	v11 =	vld [tilespmem:s2+$0x580];
	_ =	sdelay $0x4  }
0xf7: {  	v12 =	vand.u32 v8, v11;
	v11 =	vshrl.u32 v11, v10  }
0xf8: {  	vm1 =	veq.s32 v12, v9;
	v57 =	vshrl.u32 v11, $0x4  }
0xf9: {  	v11 =	vand.u32 $0xFF, v11;
	v12 =	vand.u32 $0xF, v57  }
0xfa: {  	v12 =	vor.u32 $0x100, v12;
	_ =	sdelay $0x3  }
0xfb: {  	[tilespmem:v11+s21+$0x0] =	vst.idx.add.s32.msk vm1, v4  }
0xfc: {  	[tilespmem:v12+s21+$0x0] =	vst.idx.add.s32.msk vm1, v4  }
0xfd: {  	v11 =	vld [tilespmem:s2+$0x590];
	_ =	sdelay $0x4  }
0xfe: {  	v58 =	vand.u32 v8, v11;
	v11 =	vshrl.u32 v11, v10  }
0xff: {  	vm1 =	veq.s32 v58, v9;
	v59 =	vshrl.u32 v11, $0x4  }
0x100: {  	v11 =	vand.u32 $0xFF, v11;
	v12 =	vand.u32 $0xF, v59  }
0x101: {  	v12 =	vor.u32 $0x100, v12;
	_ =	sdelay $0x3  }
0x102: {  	[tilespmem:v11+s21+$0x0] =	vst.idx.add.s32.msk vm1, v4  }
0x103: {  	[tilespmem:v12+s21+$0x0] =	vst.idx.add.s32.msk vm1, v4  }
0x104: {  	v11 =	vld [tilespmem:s2+$0x5A0];
	_ =	sdelay $0x4  }
0x105: {  	v60 =	vand.u32 v8, v11;
	v11 =	vshrl.u32 v11, v10  }
0x106: {  	vm1 =	veq.s32 v60, v9;
	v61 =	vshrl.u32 v11, $0x4  }
0x107: {  	v11 =	vand.u32 $0xFF, v11;
	v12 =	vand.u32 $0xF, v61  }
0x108: {  	v12 =	vor.u32 $0x100, v12;
	_ =	sdelay $0x3  }
0x109: {  	[tilespmem:v11+s21+$0x0] =	vst.idx.add.s32.msk vm1, v4  }
0x10a: {  	[tilespmem:v12+s21+$0x0] =	vst.idx.add.s32.msk vm1, v4  }
0x10b: {  	v11 =	vld [tilespmem:s2+$0x5B0];
	_ =	sdelay $0x4  }
0x10c: {  	v62 =	vand.u32 v8, v11;
	v11 =	vshrl.u32 v11, v10  }
0x10d: {  	vm1 =	veq.s32 v62, v9;
	v63 =	vshrl.u32 v11, $0x4  }
0x10e: {  	v11 =	vand.u32 $0xFF, v11;
	v12 =	vand.u32 $0xF, v63  }
0x10f: {  	p1 =	sne.s32 s4, $0x700;
	v12 =	vor.u32 $0x100, v12  }
.Ltmp1:
0x110: {  	_ = 	snop;
	(pc) =	sbr.rel @p1 .LBB2_5-.Ltmp1, $3  }
0x111: {  	_ =	sdelay $0x1  }
0x112: {  	[tilespmem:v11+s21+$0x0] =	vst.idx.add.s32.msk vm1, v4  }
0x113: {  	s4 =	sadd.s32 $0x100, s4;
	[tilespmem:v12+s21+$0x0] =	vst.idx.add.s32.msk vm1, v4  }
0x114: {  	s0 =	sshll.u32 s0, $0x1  }
0x115: {  	s0 =	sor.u32 s6, s0  }
0x116: {  	s2 =	sshll.u32 s0, $0x3  }
0x117: {  	s2 =	sor.u32 s7, s2  }
0x118: {  	s2 =	smul.u32 $0x440, s2;
	_ =	sdelay $0x1  }
0x119: {  	s2 =	sshra.s32 s2, $0x2  }
0x11a: {  	s2 =	sadd.s32 s2, s3  }
0x11b: {  	[spmem:s2] =	stream.linear.scatter [tilespmem:s21], [sflag:$0x1], $0x110, $0x38;
	[tilespmem:$0x1B50] =	vst v63  }
0x11c: {  	s0 =	smul.u32 $0x2200, s0;
	_ =	swait.ge [sflag:s16], $0x110  }
0x11d: {  	[sflag:s16] =	ssyncset.done $0x0  }
0x11e: {  	s0 =	sshra.s32 s0, $0x2;
	[sflag:s16] =	ssyncadd.s32 $0xFFFFFEF0  }
0x11f: {  	s0 =	sadd.s32 s0, s3;
	[bflag:$0x0] =	sbarrier.arrive $0xFFFF  }
0x120: {  	[tilespmem:s22], [sflag:$0x1] =	stream.linear.gather [spmem:s0], $0x880, $0x38;
	[tilespmem:$0x1B50] =	vst v63  }
0x121: {  	_ =	swait.ge [sflag:s16], $0x880  }
0x122: {  	[sflag:s16] =	ssyncset.done $0x0  }
0x123: {  	[sflag:s16] =	ssyncadd.s32 $0xFFFFF780  }
0x124: {  	v8 =	vld [tilespmem:$0xA00]  }
0x125: {  	v9 =	vld [tilespmem:$0xB10]  }
0x126: {  	v10 =	vld [tilespmem:$0xC20]  }
0x127: {  	v11 =	vld [tilespmem:$0xD30]  }
0x128: {  	v12 =	vld [tilespmem:$0xE40]  }
0x129: {  	v13 =	vld [tilespmem:$0xF50]  }
0x12a: {  	v51 =	vld [tilespmem:$0x1060];
	v8 =	vadd.s32 v8, v9  }
0x12b: {  	v52 =	vld [tilespmem:$0x1170];
	v8 =	vadd.s32 v10, v8  }
0x12c: {  	v8 =	vadd.s32 v11, v8  }
0x12d: {  	v8 =	vadd.s32 v12, v8  }
0x12e: {  	v8 =	vadd.s32 v13, v8  }
0x12f: {  	v8 =	vadd.s32 v51, v8  }
0x130: {  	v8 =	vadd.s32 v52, v8  }
0x131: {  	v53 =	vperm.xlane v8, v5;
	_ =	sdelay $0x1  }
0x132: {  	(xrf0) =	vadd.scan.msk.s32 $0xffff, v53;
	_ =	sdelay $0x5  }
0x133: {  	v9, _, _ =	vpop (xrf0)  }
0x134: {  	v9 =	vperm.xlane v9, v5;
	_ =	sdelay $0x1  }
0x135: {  	v8 =	vsub.s32 v9, v8  }
0x136: {  	vm4 =	vge.s32 v9, s29;
	vm1 =	vlt.s32 v8, s29  }
0x137: {  	vm1 =	vmand vm4, vm1  }
0x138: {  	v54 =	vnsel vm1, $0x7FFFFFFF, v6  }
0x139: {  	(xrf0) =	vmax.scan.msk.u32 $0xffff, v54;
	_ =	sdelay $0x5  }
0x13a: {  	v9, _, _ =	vpop (xrf0)  }
0x13b: {  	(v2sf) =	vpush v9, $0xF;
	_ =	sdelay $0xe  }
0x13c: {  	s4 =	spop (v2sf)  }
0x13d: {  	v8 =	vxor.u32 $0x80000000, v8;
	s0 =	sshll.u32 s4, $0x4  }
0x13e: {  	v8 =	vnsel vm1, $0x7FFFFFFF, v8;
	v55 =	vld [tilespmem:s0+$0x900]  }
0x13f: {  	(xrf0) =	vmax.scan.msk.u32 $0xffff, v8;
	v8 =	vld [tilespmem:s0+$0xA10]  }
0x140: {  	v56 =	vld [tilespmem:s0+$0xB20]  }
0x141: {  	v57 =	vld [tilespmem:s0+$0xC30]  }
0x142: {  	v58 =	vld [tilespmem:s0+$0xD40]  }
0x143: {  	v59 =	vld [tilespmem:s0+$0xE50]  }
0x144: {  	v60 =	vld [tilespmem:s0+$0xF60];
	v8 =	vadd.s32 v55, v8  }
0x145: {  	v14, _, _ =	vpop (xrf0);
	v61 =	vld [tilespmem:s0+$0x1070];
	v8 =	vadd.s32 v56, v8  }
0x146: {  	(v2sf) =	vpush v14, $0xF;
	v8 =	vadd.s32 v57, v8  }
0x147: {  	v8 =	vadd.s32 v58, v8  }
0x148: {  	v8 =	vadd.s32 v59, v8  }
0x149: {  	v8 =	vadd.s32 v60, v8  }
0x14a: {  	v8 =	vadd.s32 v61, v8  }
0x14b: {  	v62 =	vperm.xlane v8, v5;
	_ =	sdelay $0x1  }
0x14c: {  	(xrf0) =	vadd.scan.msk.s32 $0xffff, v62;
	_ =	sdelay $0x5  }
0x14d: {  	v9, _, _ =	vpop (xrf0)  }
0x14e: {  	v9 =	vperm.xlane v9, v5  }
0x14f: {  	s17 =	spop (v2sf)  }
0x150: {  	s2 =	sxor.u32 $0x80000000, s17;
	v8 =	vsub.s32 v9, v8  }
0x151: {  	v9 =	vadd.s32 s2, v9;
	v8 =	vadd.s32 s2, v8  }
0x152: {  	vm4 =	vge.s32 v9, s29;
	vm1 =	vlt.s32 v8, s29  }
0x153: {  	v63 =	vxor.u32 s0, v6;
	vm1 =	vmand vm4, vm1  }
0x154: {  	v8 =	vxor.u32 $0x80000000, v8;
	v9 =	vnsel vm1, $0x7FFFFFFF, v63  }
0x155: {  	v8 =	vnsel vm1, $0x7FFFFFFF, v8;
	(xrf0) =	vmax.scan.msk.u32 $0xffff, v9  }
0x156: {  	(xrf0) =	vmax.scan.msk.u32 $0xffff, v8;
	_ =	sdelay $0x4  }
0x157: {  	v8, _, _ =	vpop (xrf0)  }
0x158: {  	(v2sf) =	vpush v8, $0xF;
	v8, _, _ =	vpop (xrf0)  }
0x159: {  	(v2sf) =	vpush v8, $0xF;
	_ =	sdelay $0xa  }
0x15a: {  	s1 =	sadd.s32 $0x1, s1  }
0x15b: {  	p1 =	sne.s32 s1, $0x4  }
.Ltmp2:
0x15c: {  	_ = 	snop;
	(pc) =	sbr.rel @p1 .LBB2_4-.Ltmp2, $4  }
0x15d: {  	s4 =	spop (v2sf)  }
0x15e: {  	s0 =	sxor.u32 $0x80000000, s4;
	s17 =	spop (v2sf)  }
0x15f: {  	s2 =	sxor.u32 $0x80000000, s17;
	s0 =	sshll.u32 s0, s31  }
0x160: {  	s30 =	sor.u32 s30, s0;
	s29 =	ssub.s32 s29, s2  }
0x161: {  	v9 =	vld [tilespmem:$0x580]  }
0x162: {  	v10 =	vld [tilespmem:$0x380]  }
0x163: {  	s0 =	sand.u32 $0xFF, s30;
	v11 =	vld [tilespmem:$0x590]  }
0x164: {  	v12 =	vld [tilespmem:$0x390];
	v8 =	vadd.s32 s0, v7  }
0x165: {  	v13 =	vld [tilespmem:$0x5A0]  }
0x166: {  	v14 =	vld [tilespmem:$0x3A0]  }
0x167: {  	v15 =	vld [tilespmem:$0x5B0]  }
0x168: {  	v10 =	vadd.f32 $0.0e+00, v10;
	vm1 =	vgt.u32 v9, s30;
	v9 =	vld [tilespmem:$0x3B0]  }
0x169: {  	vm4 =	vgt.u32 v11, s30;
	v8 =	vld.idx.msk [tilespmem:v8+s22+$0x0], $0xff  }
0x16a: {  	v11 =	vnsel vm4, $0x0, v12;
	v12 =	vld [tilespmem:$0x5C0];
	v10 =	vnsel vm1, $0x0, v10  }
0x16b: {  	vm1 =	vgt.u32 v13, s30;
	v10 =	vadd.f32 v11, v10;
	v11 =	vld [tilespmem:$0x3C0]  }
0x16c: {  	v13 =	vnsel vm1, $0x0, v14;
	v14 =	vld [tilespmem:$0x5D0]  }
0x16d: {  	vm1 =	vgt.u32 v15, s30;
	v15 =	vld [tilespmem:$0x5E0]  }
0x16e: {  	v10 =	vadd.f32 v13, v10;
	v13 =	vld [tilespmem:$0x3D0]  }
0x16f: {  	v9 =	vnsel vm1, $0x0, v9;
	vm1 =	vgt.u32 v12, s30;
	v12 =	vld [tilespmem:$0x5F0]  }
0x170: {  	v9 =	vadd.f32 v9, v10;
	v10 =	vld [tilespmem:$0x3E0]  }
0x171: {  	v11 =	vnsel vm1, $0x0, v11;
	vm1 =	vgt.u32 v14, s30;
	v14 =	vld [tilespmem:$0x600]  }
0x172: {  	v9 =	vadd.f32 v11, v9;
	v11 =	vld [tilespmem:$0x3F0]  }
0x173: {  	v13 =	vnsel vm1, $0x0, v13;
	vm1 =	vgt.u32 v15, s30;
	v15 =	vld [tilespmem:$0x610]  }
0x174: {  	v9 =	vadd.f32 v13, v9;
	v13 =	vld [tilespmem:$0x400]  }
0x175: {  	v10 =	vnsel vm1, $0x0, v10;
	vm1 =	vgt.u32 v12, s30;
	v12 =	vld [tilespmem:$0x620]  }
0x176: {  	v9 =	vadd.f32 v10, v9;
	v10 =	vld [tilespmem:$0x410]  }
0x177: {  	v11 =	vnsel vm1, $0x0, v11;
	vm1 =	vgt.u32 v14, s30;
	v14 =	vld [tilespmem:$0x630]  }
0x178: {  	v9 =	vadd.f32 v11, v9;
	v11 =	vld [tilespmem:$0x420]  }
0x179: {  	v13 =	vnsel vm1, $0x0, v13;
	vm1 =	vgt.u32 v15, s30;
	v15 =	vld [tilespmem:$0x640]  }
0x17a: {  	v9 =	vadd.f32 v13, v9;
	v13 =	vld [tilespmem:$0x430]  }
0x17b: {  	v10 =	vnsel vm1, $0x0, v10;
	vm1 =	vgt.u32 v12, s30;
	v12 =	vld [tilespmem:$0x650]  }
0x17c: {  	v9 =	vadd.f32 v10, v9;
	v10 =	vld [tilespmem:$0x440]  }
0x17d: {  	v11 =	vnsel vm1, $0x0, v11;
	vm1 =	vgt.u32 v14, s30;
	v14 =	vld [tilespmem:$0x660]  }
0x17e: {  	v9 =	vadd.f32 v11, v9;
	v11 =	vld [tilespmem:$0x450]  }
0x17f: {  	v13 =	vnsel vm1, $0x0, v13;
	vm1 =	vgt.u32 v15, s30;
	v15 =	vld [tilespmem:$0x670]  }
0x180: {  	v9 =	vadd.f32 v13, v9;
	v13 =	vld [tilespmem:$0x460]  }
0x181: {  	v10 =	vnsel vm1, $0x0, v10;
	vm1 =	vgt.u32 v12, s30;
	v12 =	vld [tilespmem:$0x680]  }
0x182: {  	v9 =	vadd.f32 v10, v9;
	v10 =	vld [tilespmem:$0x470]  }
0x183: {  	v11 =	vnsel vm1, $0x0, v11;
	vm1 =	vgt.u32 v14, s30;
	v14 =	vld [tilespmem:$0x690]  }
0x184: {  	v9 =	vadd.f32 v11, v9;
	v11 =	vld [tilespmem:$0x480]  }
0x185: {  	v13 =	vnsel vm1, $0x0, v13;
	vm1 =	vgt.u32 v15, s30;
	v15 =	vld [tilespmem:$0x6A0]  }
0x186: {  	v9 =	vadd.f32 v13, v9;
	v13 =	vld [tilespmem:$0x490]  }
0x187: {  	v10 =	vnsel vm1, $0x0, v10;
	vm1 =	vgt.u32 v12, s30;
	v12 =	vld [tilespmem:$0x6B0]  }
0x188: {  	v9 =	vadd.f32 v10, v9;
	v10 =	vld [tilespmem:$0x4A0]  }
0x189: {  	v11 =	vnsel vm1, $0x0, v11;
	vm1 =	vgt.u32 v14, s30;
	v14 =	vld [tilespmem:$0x6C0]  }
0x18a: {  	v9 =	vadd.f32 v11, v9;
	v11 =	vld [tilespmem:$0x4B0]  }
0x18b: {  	v13 =	vnsel vm1, $0x0, v13;
	vm1 =	vgt.u32 v15, s30;
	v15 =	vld [tilespmem:$0x6D0]  }
0x18c: {  	v9 =	vadd.f32 v13, v9;
	v13 =	vld [tilespmem:$0x4C0]  }
0x18d: {  	v10 =	vnsel vm1, $0x0, v10;
	vm1 =	vgt.u32 v12, s30;
	v12 =	vld [tilespmem:$0x6E0]  }
0x18e: {  	v9 =	vadd.f32 v10, v9;
	v10 =	vld [tilespmem:$0x4D0]  }
0x18f: {  	v11 =	vnsel vm1, $0x0, v11;
	vm1 =	vgt.u32 v14, s30;
	v14 =	vld [tilespmem:$0x6F0]  }
0x190: {  	v9 =	vadd.f32 v11, v9;
	v11 =	vld [tilespmem:$0x4E0]  }
0x191: {  	v13 =	vnsel vm1, $0x0, v13;
	vm1 =	vgt.u32 v15, s30;
	v15 =	vld [tilespmem:$0x700]  }
0x192: {  	v9 =	vadd.f32 v13, v9;
	v13 =	vld [tilespmem:$0x4F0]  }
0x193: {  	v10 =	vnsel vm1, $0x0, v10;
	vm1 =	vgt.u32 v12, s30;
	v12 =	vld [tilespmem:$0x710]  }
0x194: {  	v9 =	vadd.f32 v10, v9;
	v10 =	vld [tilespmem:$0x500]  }
0x195: {  	v11 =	vnsel vm1, $0x0, v11;
	vm1 =	vgt.u32 v14, s30;
	v14 =	vld [tilespmem:$0x720]  }
0x196: {  	v9 =	vadd.f32 v11, v9;
	v11 =	vld [tilespmem:$0x510]  }
0x197: {  	v13 =	vnsel vm1, $0x0, v13;
	vm1 =	vgt.u32 v15, s30;
	v15 =	vld [tilespmem:$0x730]  }
0x198: {  	v9 =	vadd.f32 v13, v9;
	v13 =	vld [tilespmem:$0x520]  }
0x199: {  	v10 =	vnsel vm1, $0x0, v10;
	vm1 =	vgt.u32 v12, s30;
	v12 =	vld [tilespmem:$0x740]  }
0x19a: {  	v9 =	vadd.f32 v10, v9;
	v10 =	vld [tilespmem:$0x530];
	_ =	sdelay $0x2  }
0x19b: {  	v11 =	vnsel vm1, $0x0, v11;
	vm1 =	vgt.u32 v14, s30  }
0x19c: {  	v16 =	vld [tilespmem:$0x770];
	v9 =	vadd.f32 v11, v9;
	v13 =	vnsel vm1, $0x0, v13;
	vm1 =	vgt.u32 v15, s30  }
0x19d: {  	v11 =	vld [tilespmem:$0x540];
	v10 =	vnsel vm1, $0x0, v10;
	vm1 =	vgt.u32 v12, s30;
	v12 =	vnsel vm3, $0x0, v8  }
0x19e: {  	(xrf0) =	vadd.scan.msk.s32 $0xffff, v12;
	v12 =	vld [tilespmem:$0x1FFE0]  }
0x19f: {  	v14 =	vld [tilespmem:$0x750];
	v9 =	vadd.f32 v13, v9  }
0x1a0: {  	v13 =	vld [tilespmem:$0x550]  }
0x1a1: {  	v15 =	vld [tilespmem:$0x760];
	v9 =	vadd.f32 v10, v9  }
0x1a2: {  	v10 =	vld [tilespmem:$0x560];
	v11 =	vnsel vm1, $0x0, v11  }
0x1a3: {  	v9 =	vadd.f32 v11, v9;
	v11 =	vld [tilespmem:$0x570];
	vm1 =	vnez.u8 v12  }
0x1a4: {  	v8 =	vnsel vm1, $0x0, v8;
	vm1 =	vgt.u32 v14, s30  }
0x1a5: {  	(xrf0) =	vadd.scan.msk.s32 $0xffff, v8;
	v8 =	vnsel vm1, $0x0, v13  }
0x1a6: {  	vm1 =	vgt.u32 v15, s30;
	v8 =	vadd.f32 v8, v9  }
0x1a7: {  	v9 =	vnsel vm1, $0x0, v10;
	vm1 =	vgt.u32 v16, s30  }
0x1a8: {  	v8 =	vadd.f32 v9, v8;
	v9 =	vnsel vm1, $0x0, v11;
	_ =	sdelay $0x1  }
0x1a9: {  	v10, _, _ =	vpop (xrf0)  }
0x1aa: {  	(v2sf) =	vpush v10, $0xF;
	v8 =	vadd.f32 v9, v8;
	v9, _, _ =	vpop (xrf0)  }
0x1ab: {  	(v2sf) =	vpush v9, $0xF  }
0x1ac: {  	(xrf2) =	vadd.scan.msk.f32 $0xffff, v8;
	_ =	sdelay $0x9  }
0x1ad: {  	v8, _, _ =	vpop (xrf2)  }
0x1ae: {  	v8 =	vbroadcast v8, $0xF;
	_ =	sdelay $0x1  }
0x1af: {  	s4 =	spop (v2sf);
	v8 =	vnsel vm3, $0x0, v8  }
0x1b0: {  	[tilespmem:$0x1180] =	vst v8;
	s17 =	spop (v2sf)  }
0x1b1: {  	[spmem:s10] =	stream.linear.scatter [tilespmem:s23], [sflag:$0x1], $0x10, $0x38;
	[tilespmem:$0x1B50] =	vst v63  }
0x1b2: {  	_ =	swait.ge [sflag:s16], $0x10  }
0x1b3: {  	[sflag:s16] =	ssyncset.done $0x0  }
0x1b4: {  	[sflag:s16] =	ssyncadd.s32 $0xFFFFFFF0  }
0x1b5: {  	[bflag:$0x0] =	sbarrier.arrive $0xFFFF  }
0x1b6: {  	[tilespmem:s24], [sflag:$0x1] =	stream.linear.gather [spmem:s8], $0x80, $0x38;
	[tilespmem:$0x1B50] =	vst v63  }
0x1b7: {  	_ =	swait.ge [sflag:s16], $0x80  }
0x1b8: {  	[sflag:s16] =	ssyncset.done $0x0  }
0x1b9: {  	[sflag:s16] =	ssyncadd.s32 $0xFFFFFF80  }
0x1ba: {  	v8 =	vld [tilespmem:$0x1200]  }
0x1bb: {  	v9 =	vld [tilespmem:$0x1210];
	_ =	sdelay $0x1  }
0x1bc: {  	v10 =	vld [tilespmem:$0x1220];
	_ =	sdelay $0x1  }
0x1bd: {  	v11 =	vld [tilespmem:$0x1230]  }
0x1be: {  	v8 =	vadd.f32 v9, v8  }
0x1bf: {  	v9 =	vld [tilespmem:$0x1240]  }
0x1c0: {  	s1 =	simm.s32 $0x0;
	v12 =	vld [tilespmem:$0x1250];
	v8 =	vadd.f32 v10, v8  }
0x1c1: {  	v14 =	vld [tilespmem:s1+$0x590]  }
0x1c2: {  	v15 =	vld [tilespmem:s1+$0x580];
	v10 =	vadd.f32 v11, v8  }
0x1c3: {  	v11 =	vld [tilespmem:$0x1260]  }
0x1c4: {  	v9 =	vadd.f32 v9, v10  }
0x1c5: {  	v8 =	vmov s30;
	v10 =	vld [tilespmem:$0x1270]  }
0x1c6: {  	vm7 =	veq.s32 v14, v8;
	v9 =	vadd.f32 v12, v9  }
0x1c7: {  	vm4 =	veq.s32 v15, v8;
	v12 =	vsel vm7, $0x1, v0  }
0x1c8: {  	v13 =	vsel vm4, $0x1, v0;
	(xrf0) =	vadd.scan.msk.s32 $0xffff, v12;
	v9 =	vadd.f32 v11, v9  }
0x1c9: {  	(xrf0) =	vadd.scan.msk.s32 $0xffff, v13  }
0x1ca: {  	v9 =	vadd.f32 v10, v9  }
0x1cb: {  	v19 =	vld [tilespmem:s1+$0x5A0]  }
0x1cc: {  	v9 =	vnsel vm0, $0x0, v9  }
0x1cd: {  	(xrf2) =	vadd.scan.msk.f32 $0xffff, v9  }
0x1ce: {  	v11, _, _ =	vpop (xrf0)  }
0x1cf: {  	(v2sf) =	vpush v11, $0xF;
	v20, _, _ =	vpop (xrf0)  }
0x1d0: {  	vm1 =	veq.s32 v19, v8;
	(v2sf) =	vpush v20, $0xF  }
0x1d1: {  	v9 =	vsel vm1, $0x1, v0  }
0x1d2: {  	p1 =	sgt.s32 s30, $0xFFFFFFFF;
	s2 =	simm.s32 $0xFFFFFFFF;
	s31 =	simm.s32 $0x40;
	(xrf0) =	vadd.scan.msk.s32 $0xffff, v9  }
0x1d3: {  	s2 =	simm.s32 @!p1 $0x80000000;
	v16 =	vld [tilespmem:s31+$0x590]  }
0x1d4: {  	s2 =	sxor.u32 s30, s2;
	v21 =	vld [tilespmem:s1+$0x5B0];
	s30 =	scvt.s32.f32 s29  }
0x1d5: {  	v13 =	vld [tilespmem:s31+$0x580];
	v9 =	vmov s2  }
0x1d6: {  	v9 =	vmul.f32 s30, v9  }
0x1d7: {  	v10, _, _ =	vpop (xrf2)  }
0x1d8: {  	vm5 =	veq.s32 v16, v8;
	v12 =	vld [tilespmem:s31+$0x5A0];
	v9 =	vbroadcast v9, $0x0;
	v22, _, _ =	vpop (xrf0);
	v10 =	vbroadcast v10, $0xF  }
0x1d9: {  	vm6 =	veq.s32 v21, v8;
	v17 =	vsel vm5, $0x1, v0;
	(v2sf) =	vpush v22, $0xF  }
0x1da: {  	s0 =	ssub.s32 s29, s17;
	vm8 =	veq.s32 v13, v8;
	(xrf0) =	vadd.scan.msk.s32 $0xffff, v17;
	v9 =	vadd.f32 v10, v9;
	v10 =	vsel vm6, $0x1, v0  }
0x1db: {  	p1 =	slt.s32 s0, s4;
	v17 =	vsel vm8, $0x1, v0;
	(xrf0) =	vadd.scan.msk.s32 $0xffff, v10  }
0x1dc: {  	s4 =	smov.u32 @p1 s0;
	vm10 =	vgt.u32 v14, v8;
	vm11 =	vmmov vm7;
	vm9 =	vmmov vm1;
	(xrf0) =	vadd.scan.msk.s32 $0xffff, v17  }
0x1dd: {  	p1 =	sgt.s32 s4, $0x0;
	v29 =	vsel vm6, $0xFFFFFFFF, v0;
	v26 =	vsel vm9, $0xFFFFFFFF, v0;
	vm7 =	veq.s32 v12, v8  }
0x1de: {  	s4 =	simm.s32 @!p1 $0x0;
	v14 =	vsel vm7, $0x1, v0;
	vm1 =	vmmov vm4;
	vm4 =	vmmov vm10;
	s0 =	spop (v2sf)  }
0x1df: {  	s17 =	simm.s32 $0x0;
	v24 =	vsel vm1, $0xFFFFFFFF, v0;
	v10 =	vmov s4;
	v17 =	vsel vm11, $0xFFFFFFFF, v0;
	(xrf0) =	vadd.scan.msk.s32 $0xffff, v14;
	s4 =	spop (v2sf)  }
0x1e0: {  	vm10 =	vgt.u32 v16, v8;
	v24 =	vadd.s32 s17, v24;
	v25, _, _ =	vpop (xrf0);
	v11 =	vadd.s32 v17, v11;
	v14 =	vld [tilespmem:s1+$0x390];
	s2 =	sadd.s32 $0x0, s4  }
0x1e1: {  	v20 =	vadd.s32 v20, v24;
	(v2sf) =	vpush v25, $0xF;
	v11 =	vadd.s32 s2, v11;
	v27, _, _ =	vpop (xrf0)  }
0x1e2: {  	v23 =	vld [tilespmem:s1+$0x380];
	v22 =	vadd.s32 v26, v22;
	vm12 =	vlt.s32 v11, v10;
	v18, _, _ =	vpop (xrf0);
	(v2sf) =	vpush v27, $0xF  }
0x1e3: {  	s29 =	simm.s32 $0x80;
	v16 =	vld [tilespmem:s31+$0x380];
	v9 =	vmul.f32 $1.562500000e-02, v9;
	vm11 =	vmand vm11, vm12;
	(v2sf) =	vpush v18, $0xF  }
0x1e4: {  	v24 =	vld [tilespmem:s29+$0x590];
	v27 =	vadd.s32 v29, v27;
	vm12 =	vgt.u32 v19, v8;
	vm4 =	vmor vm4, vm11  }
0x1e5: {  	v17 =	vld [tilespmem:s31+$0x5B0];
	vm11 =	vlt.s32 v20, v10;
	v26, _, _ =	vpop (xrf0);
	v20 =	vnsel vm4, $0x0, v14;
	vm4 =	vgt.u32 v15, v8  }
0x1e6: {  	s0 =	sadd.s32 s2, s0;
	v11 =	vld [tilespmem:s29+$0x5A0];
	vm1 =	vmand vm1, vm11;
	(v2sf) =	vpush v26, $0xF;
	v28 =	vadd.f32 $1.000000000e+00, v20  }
0x1e7: {  	v14 =	vld [tilespmem:s29+$0x580];
	[tilespmem:s1+$0x1290] =	vst v20;
	vm1 =	vmor vm4, vm1;
	v20 =	vadd.s32 s0, v22;
	vm4 =	vmmov vm7  }
0x1e8: {  	s4 =	spop (v2sf);
	vm7 =	vmmov vm5;
	vm5 =	vmmov vm6;
	v22 =	vnsel vm1, $0x0, v23  }
0x1e9: {  	v19 =	vld [tilespmem:s1+$0x3A0];
	s0 =	sadd.s32 s0, s4;
	vm1 =	vmmov vm9;
	vm9 =	vmmov vm10;
	v23 =	vmul.f32 v28, v9  }
0x1ea: {  	vm10 =	veq.s32 v24, v8;
	vm11 =	vlt.s32 v20, v10;
	v20 =	vadd.s32 s0, v27  }
0x1eb: {  	v15 =	vld [tilespmem:s29+$0x380];
	vm1 =	vmand vm1, vm11;
	vm11 =	veq.s32 v17, v8;
	[tilespmem:s1+$0x1490] =	vst v23;
	v23 =	vsel vm10, $0x1, v0  }
0x1ec: {  	vm1 =	vmor vm12, vm1;
	vm12 =	vlt.s32 v20, v10;
	v20 =	vadd.f32 $1.000000000e+00, v22;
	(xrf0) =	vadd.scan.msk.s32 $0xffff, v23  }
0x1ed: {  	vm6 =	vmmov vm8;
	v27 =	vld [tilespmem:s1+$0x3B0];
	[tilespmem:s1+$0x1280] =	vst v22;
	vm8 =	veq.s32 v14, v8;
	v23 =	vsel vm11, $0x1, v0  }
0x1ee: {  	v62 =	vnsel vm1, $0x0, v19;
	v22 =	vsel vm8, $0x1, v0;
	v19 =	vmul.f32 v20, v9;
	(xrf0) =	vadd.scan.msk.s32 $0xffff, v23  }
0x1ef: {  	vm12 =	vmand vm5, vm12;
	vm5 =	veq.s32 v11, v8;
	vm1 =	vgt.u32 v21, v8;
	(xrf0) =	vadd.scan.msk.s32 $0xffff, v22  }
0x1f0: {  	s2 =	spop (v2sf);
	v21 =	vsel vm5, $0x1, v0;
	vm1 =	vmor vm1, vm12;
	vm12 =	vgt.u32 v24, v8  }
0x1f1: {  	v20 =	vsel vm4, $0xFFFFFFFF, v0;
	v23 =	vsel vm6, $0xFFFFFFFF, v0;
	v22 =	vsel vm7, $0xFFFFFFFF, v0;
	s17 =	spop (v2sf)  }
0x1f2: {  	v27 =	vnsel vm1, $0x0, v27;
	[tilespmem:s1+$0x1480] =	vst v19;
	v22 =	vadd.s32 v22, v25;
	v19, _, _ =	vpop (xrf0);
	(xrf0) =	vadd.scan.msk.s32 $0xffff, v21;
	s30 =	spop (v2sf);
	s0 =	sadd.s32 s0, s17  }
0x1f3: {  	v20 =	vadd.s32 v20, v26;
	v26 =	vsel vm11, $0xFFFFFFFF, v0;
	v30 =	vadd.f32 $1.000000000e+00, v27;
	s4 =	sadd.s32 s0, s30  }
0x1f4: {  	v25 =	vadd.f32 $1.000000000e+00, v62;
	(v2sf) =	vpush v19, $0xF;
	v63, _, _ =	vpop (xrf0);
	v21 =	vadd.s32 s4, v22;
	s2 =	sadd.s32 s4, s2  }
0x1f5: {  	v24 =	vld [tilespmem:s31+$0x390];
	[tilespmem:s1+$0x12A0] =	vst v62;
	(v2sf) =	vpush v63, $0xF;
	s30 =	spop (v2sf);
	v22, _, _ =	vpop (xrf0);
	vm1 =	vlt.s32 v21, v10;
	v20 =	vadd.s32 s2, v20  }
0x1f6: {  	[tilespmem:s1+$0x12B0] =	vst v27;
	s4 =	simm.s32 $0x300;
	s30 =	sadd.s32 s2, s30;
	(v2sf) =	vpush v22, $0xF;
	v21 =	vadd.s32 v26, v63;
	v26 =	vmul.f32 v30, v9  }
.LBB2_8:
0x1f7: {  	v23 =	vadd.s32 s0, v23;
	vm1 =	vmand vm7, vm1;
	v25 =	vmul.f32 v25, v9  }
0x1f8: {  	s2 =	sshra.s32 s4, $0x2;
	p1 =	sne.s32 s4, $0x700;
	s4 =	sadd.s32 $0x100, s4;
	v27 =	vld [tilespmem:s29+$0x5B0];
	v28, _, _ =	vpop (xrf0);
	vm13 =	vmmov vm4;
	vm4 =	vmmov vm5;
	vm7 =	vmmov vm10  }
0x1f9: {  	v29 =	vld [tilespmem:s2+$0x5A0];
	(v2sf) =	vpush v28, $0xF;
	v23 =	vadd.s32 v18, v23;
	vm1 =	vmor vm9, vm1;
	[tilespmem:s1+$0x14B0] =	vst v26;
	v18 =	vmovc v22  }
0x1fa: {  	vm14 =	vmmov vm11;
	v22 =	vld [tilespmem:s2+$0x590];
	vm5 =	vlt.s32 v23, v10;
	v23 =	vnsel vm1, $0x0, v24;
	[tilespmem:s1+$0x14A0] =	vst v25;
	s1 =	smov.u32 s31;
	s31 =	smov.u32 s29;
	s29 =	smov.u32 s2  }
0x1fb: {  	vm1 =	vgt.u32 v13, v8;
	v13 =	vmovc v14;
	vm5 =	vmand vm6, vm5;
	[tilespmem:s1+$0x1290] =	vst v23;
	v23 =	vadd.f32 $1.000000000e+00, v23;
	v14 =	vld [tilespmem:s29+$0x580]  }
0x1fc: {  	vm9 =	vmmov vm12;
	vm6 =	vmmov vm8;
	v24 =	vld [tilespmem:s29+$0x380];
	vm1 =	vmor vm1, vm5  }
0x1fd: {  	v25 =	vnsel vm1, $0x0, v16;
	v23 =	vmul.f32 v23, v9;
	v16 =	vmov v15  }
0x1fe: {  	vm15 =	vgt.u32 v17, v8;
	vm1 =	vgt.u32 v12, v8;
	vm5 =	veq.s32 v29, v8;
	[tilespmem:s1+$0x1280] =	vst v25  }
0x1ff: {  	v17 =	vmovc v27;
	v12 =	vmovc v11;
	v31 =	vadd.f32 $1.000000000e+00, v25;
	vm10 =	veq.s32 v22, v8;
	v26 =	vsel vm5, $0x1, v0;
	[tilespmem:s1+$0x1490] =	vst v23  }
0x200: {  	vm11 =	veq.s32 v17, v8;
	v11 =	vmovc v29;
	vm8 =	veq.s32 v14, v8;
	v23 =	vsel vm10, $0x1, v0  }
0x201: {  	v27 =	vsel vm11, $0x1, v0;
	v29 =	vmul.f32 v31, v9;
	v25 =	vsel vm8, $0x1, v0;
	(xrf0) =	vadd.scan.msk.s32 $0xffff, v23;
	v30 =	vld [tilespmem:s1+$0x3A0];
	v15 =	vmovc v24  }
0x202: {  	vm12 =	vgt.u32 v22, v8;
	v22 =	vsel vm7, $0xFFFFFFFF, v0;
	v23 =	vsel vm6, $0xFFFFFFFF, v0;
	(xrf0) =	vadd.scan.msk.s32 $0xffff, v27;
	v24 =	vld [tilespmem:s1+$0x3B0]  }
0x203: {  	vm2 =	vlt.s32 v20, v10;
	v20 =	vadd.s32 s30, v21;
	(xrf0) =	vadd.scan.msk.s32 $0xffff, v25;
	[tilespmem:s1+$0x1480] =	vst v29  }
0x204: {  	v21 =	vsel vm4, $0xFFFFFFFF, v0;
	vm2 =	vmand vm13, vm2;
	vm13 =	vlt.s32 v20, v10;
	s2 =	spop (v2sf)  }
0x205: {  	v20 =	vadd.s32 v21, v28;
	vm1 =	vmor vm1, vm2;
	vm2 =	vmand vm14, vm13;
	(xrf0) =	vadd.scan.msk.s32 $0xffff, v26;
	s0 =	spop (v2sf)  }
.Ltmp3:
0x206: {  	v21 =	vsel vm11, $0xFFFFFFFF, v0;
	s17 =	spop (v2sf);
	v26 =	vnsel vm1, $0x0, v30;
	vm1 =	vmor vm15, vm2;
	s0 =	sadd.s32 s30, s0;
	(pc) =	sbr.rel @p1 .LBB2_8-.Ltmp3, $4  }
0x207: {  	v30 =	vadd.s32 v22, v19;
	s17 =	sadd.s32 s0, s17;
	v19, _, _ =	vpop (xrf0);
	v25 =	vadd.f32 $1.000000000e+00, v26;
	v27 =	vnsel vm1, $0x0, v24  }
0x208: {  	(v2sf) =	vpush v19, $0xF;
	v24 =	vld [tilespmem:s31+$0x390];
	v28 =	vadd.s32 s17, v30;
	s2 =	sadd.s32 s17, s2;
	s17 =	spop (v2sf);
	v29, _, _ =	vpop (xrf0);
	[tilespmem:s1+$0x12A0] =	vst v26;
	v26 =	vadd.f32 $1.000000000e+00, v27  }
0x209: {  	v22, _, _ =	vpop (xrf0);
	vm1 =	vlt.s32 v28, v10;
	v20 =	vadd.s32 s2, v20;
	s30 =	sadd.s32 s2, s17;
	(v2sf) =	vpush v29, $0xF;
	[tilespmem:s1+$0x12B0] =	vst v27  }
0x20a: {  	v21 =	vadd.s32 v21, v29;
	(v2sf) =	vpush v22, $0xF;
	v26 =	vmul.f32 v26, v9  }
0x20b: {  	_ =	sdelay $0x2  }
0x20c: {  	v23 =	vadd.s32 s0, v23;
	vm1 =	vmand vm7, vm1  }
0x20d: {  	v25 =	vmul.f32 v25, v9;
	v34, _, _ =	vpop (xrf0);
	vm14 =	vmmov vm11;
	vm7 =	vmmov vm12  }
0x20e: {  	v31 =	vld [tilespmem:s29+$0x5B0];
	vm15 =	vgt.u32 v12, v8;
	v18 =	vadd.s32 v18, v23;
	(v2sf) =	vpush v34, $0xF  }
0x20f: {  	v38 =	vadd.s32 s30, v21;
	vm1 =	vmor vm9, vm1;
	vm2 =	vlt.s32 v18, v10  }
0x210: {  	[tilespmem:s1+$0x14B0] =	vst v26;
	v32 =	vnsel vm1, $0x0, v24;
	vm1 =	vgt.u32 v13, v8;
	vm2 =	vmand vm6, vm2  }
0x211: {  	vm12 =	vgt.u32 v17, v8;
	vm13 =	vlt.s32 v38, v10;
	[tilespmem:s1+$0x14A0] =	vst v25;
	vm1 =	vmor vm1, vm2  }
0x212: {  	vm9 =	vmand vm14, vm13;
	v33 =	vadd.f32 $1.000000000e+00, v32;
	v35 =	vld [tilespmem:s31+$0x3B0];
	v16 =	vnsel vm1, $0x0, v16  }
0x213: {  	v37 =	vld [tilespmem:s31+$0x3A0];
	vm2 =	vmmov vm4;
	vm4 =	veq.s32 v31, v8;
	[tilespmem:s31+$0x1280] =	vst v16;
	v16 =	vadd.f32 $1.000000000e+00, v16  }
0x214: {  	vm14 =	vlt.s32 v20, v10;
	[tilespmem:s31+$0x1290] =	vst v32;
	v13 =	vmul.f32 v33, v9;
	v39 =	vsel vm4, $0x1, v0  }
0x215: {  	vm6 =	vmmov vm8;
	vm9 =	vmor vm12, vm9;
	(xrf0) =	vadd.scan.msk.s32 $0xffff, v39;
	v36 =	vmul.f32 v16, v9;
	s4 =	spop (v2sf)  }
0x216: {  	v40 =	vsel vm6, $0xFFFFFFFF, v0;
	vm1 =	vmmov vm10;
	vm2 =	vmand vm2, vm14;
	[tilespmem:s31+$0x1490] =	vst v13;
	s17 =	spop (v2sf)  }
0x217: {  	v41 =	vsel vm1, $0xFFFFFFFF, v0;
	vm2 =	vmor vm15, vm2;
	v12 =	vnsel vm9, $0x0, v35;
	[tilespmem:s31+$0x1480] =	vst v36;
	s2 =	spop (v2sf);
	s1 =	sadd.s32 s30, s17  }
0x218: {  	v42 =	vadd.s32 v41, v19;
	v16 =	vnsel vm2, $0x0, v37;
	v44 =	vadd.f32 $1.000000000e+00, v12;
	v43 =	vld [tilespmem:s29+$0x390];
	s2 =	sadd.s32 s1, s2  }
0x219: {  	v56 =	vsel vm4, $0xFFFFFFFF, v0;
	v45 =	vadd.f32 $1.000000000e+00, v16;
	v13 =	vadd.s32 s2, v42  }
0x21a: {  	v47 =	vmul.f32 v44, v9;
	v46 =	vadd.s32 s1, v40;
	vm2 =	vlt.s32 v13, v10  }
0x21b: {  	v49 =	vmul.f32 v45, v9;
	v51, _, _ =	vpop (xrf0);
	v48 =	vadd.s32 v22, v46;
	vm1 =	vmand vm1, vm2  }
0x21c: {  	[tilespmem:s31+$0x12A0] =	vst v16;
	(v2sf) =	vpush v51, $0xF;
	vm2 =	vlt.s32 v48, v10;
	vm1 =	vmor vm7, vm1  }
0x21d: {  	[tilespmem:s31+$0x12B0] =	vst v12;
	s0 =	sadd.s32 s2, s4;
	s30 =	spop (v2sf);
	vm2 =	vmand vm6, vm2;
	v50 =	vnsel vm1, $0x0, v43;
	vm1 =	vgt.u32 v14, v8  }
0x21e: {  	[tilespmem:s31+$0x14B0] =	vst v47;
	v58 =	vadd.s32 v56, v51;
	s1 =	sadd.s32 s0, s30;
	vm1 =	vmor vm1, vm2  }
0x21f: {  	[tilespmem:s31+$0x14A0] =	vst v49;
	v14 =	vadd.s32 s1, v58;
	v53 =	vnsel vm1, $0x0, v15;
	vm1 =	vmmov vm5  }
0x220: {  	v59 =	vld [tilespmem:s29+$0x3B0];
	v52 =	vadd.f32 $1.000000000e+00, v50;
	vm2 =	vmmov vm4;
	v55 =	vsel vm1, $0xFFFFFFFF, v0  }
0x221: {  	v16 =	vld [tilespmem:s29+$0x3A0];
	vm4 =	vgt.u32 v31, v8;
	vm5 =	vlt.s32 v14, v10;
	v57 =	vadd.s32 v55, v34  }
0x222: {  	v54 =	vmul.f32 v52, v9;
	vm1 =	vmmov vm1;
	v13 =	vadd.s32 s0, v57  }
0x223: {  	v12 =	vadd.f32 $1.000000000e+00, v53;
	vm2 =	vmand vm2, vm5;
	vm15 =	vlt.s32 v13, v10  }
0x224: {  	[tilespmem:s29+$0x1290] =	vst v50;
	vm5 =	vgt.u32 v11, v8;
	vm2 =	vmor vm4, vm2;
	vm1 =	vmand vm1, vm15  }
0x225: {  	[tilespmem:s29+$0x1280] =	vst v53;
	v8 =	vmul.f32 v12, v9;
	v60 =	vnsel vm2, $0x0, v59;
	vm1 =	vmor vm5, vm1  }
0x226: {  	[tilespmem:s29+$0x1490] =	vst v54;
	v62 =	vadd.f32 $1.000000000e+00, v60;
	v61 =	vnsel vm1, $0x0, v16  }
0x227: {  	[tilespmem:s29+$0x1480] =	vst v8;
	v8 =	vadd.f32 $1.000000000e+00, v61  }
0x228: {  	[tilespmem:s29+$0x12B0] =	vst v60;
	v63 =	vmul.f32 v62, v9  }
0x229: {  	[tilespmem:s29+$0x12A0] =	vst v61;
	v8 =	vmul.f32 v8, v9  }
0x22a: {  	[tilespmem:s29+$0x14B0] =	vst v63  }
0x22b: {  	s31 =	spop (v2sf);
	[tilespmem:s29+$0x14A0] =	vst v8  }
0x22c: {  	[hbm4b:s11+s18] =	stream.strided.scatter [tilespmem:s25], [sflag:$0x1], $0x200, s15, s18, $0x38;
	[tilespmem:$0x1B50] =	vst v63  }
0x22d: {  	_ =	swait.ge [sflag:s16], $0x200  }
0x22e: {  	[sflag:s16] =	ssyncset.done $0x0  }
0x22f: {  	[sflag:s16] =	ssyncadd.s32 $0xFFFFFE00  }
0x230: {  	[hbm4b:s12+s18] =	stream.strided.scatter [tilespmem:s26], [sflag:$0x1], $0x200, s15, s18, $0x38;
	[tilespmem:$0x1B50] =	vst v63  }
0x231: {  	_ =	swait.ge [sflag:s16], $0x200  }
0x232: {  	[sflag:s16] =	ssyncset.done $0x0  }
0x233: {  	s28 =	sadd.s32 $0x1, s28;
	[sflag:s16] =	ssyncadd.s32 $0xFFFFFE00  }
0x234: {  	p1 =	sne.s32 s28, s14;
	s1 =	simm.s32 @!p0 $0x1680;
	s0 =	simm.s32 @!p0 $0x0;
	[tilespmem:$0x1680] =	vst @!p0 v9  }
0x235: {  	[hbm4b:s13+s0] =	stream.linear.scatter @!p0 [tilespmem:s1], [sflag:$0x1], $0x80, $0x38;
	[tilespmem:$0x1B50] =	vst v63  }
.Ltmp4:
0x236: {  	_ = 	snop;
	(pc) =	sbr.rel @p1 .LBB2_1-.Ltmp4, $4  }
0x237: {  	s0 =	simm.s32 @!p0 $0x1  }
0x238: {  	_ =	swait.ge @!p0 [sflag:s0], $0x80  }
0x239: {  	[sflag:s0] =	ssyncset.done @!p0 $0x0  }
0x23a: {  	[sflag:s0] =	ssyncadd.s32 @!p0 $0xFFFFFF80  }
0x23b: {  	_ =	sfence.sel $0x180000  }
0x23c: {  	[bflag:$0x0] =	sbarrier.arrive $0xFFFF  }
0x23d: {  	_ =	strace $0x90000047  }
0x23e: {  	s0 =	stileid.u32;
	[bflag:$0x2] =	sbarrier.arrive $0xFFFF  }
0x23f: {  	p0 =	sne.s32 s0, $0x0;
	s0 =	rddreg [dreg:$0x8]  }
0x240: {  	s0 =	sadd.s32 @!p0 $0x100000, s0  }
0x241: {  	[sflag:s0] =	ssyncadd.tile.s32 @!p0 $0x1;
	_ =	shalt  }
.Lfunc_end2:
_tile_overlayer_lowered:
.L_overlay_start_2:
0x242: {  	(tag) =	ssettag $0x2  }
0x243: {  	s0 =	rddreg [dreg:$0x0];
	s2 =	stileid.u32  }
0x244: {  	s1 =	rddreg [dreg:$0x1];
	p0 =	sne.s32 s2, $0x0  }
0x245: {  	s3 =	rddreg [dreg:$0x2];
	[bflag:$0x3] =	sbarrier.arrive $0xFFFF;
	s2 =	simm.s32 @!p0 $0x1C01  }
0x246: {  	[timem:s3], [sflag:s2] =	dma.local @!p0 [hbm:s0], s1  }
0x247: {  	s0 =	simm.s32 @!p0 $0x1  }
0x248: {  	_ =	swait.ge @!p0 [sflag:s0], s1  }
0x249: {  	s1 =	ssub.s32 @!p0 $0x0, s1;
	[sflag:s0] =	ssyncset.done @!p0 $0x0  }
0x24a: {  	[sflag:s0] =	ssyncadd.s32 @!p0 s1  }
0x24b: {  	[bflag:$0x3] =	sbarrier.arrive $0xFFFF  }
0x24c: {  	_ =	shalt  }

</sc_bundles>
